<compile_context>
chip_gen: v7x
topology: tpu7x:2x2x1
jax: 0.10.2.dev20260603
libtpu: 0.0.44.dev20260713+nightly
codegen_flags: <defaults>
</compile_context>

<pallas_src>
import functools
import math

import jax
import jax.numpy as jnp
import numpy as np
from jax import lax
from jax.experimental import pallas as pl
from jax.experimental.pallas import tpu as pltpu
from jax.experimental.pallas import tpu_sc as plsc


def _sinusoidal_pe(maxlen, dim):
    pos = jnp.arange(maxlen, dtype=jnp.float32)
    i = np.arange(dim)
    terms = jnp.asarray(1.0 / (10000.0 ** (2 * (i // 2) / dim)), dtype=jnp.float32)
    pe_val = pos[:, None] * terms[None, :]
    even = pe_val[:, 0::2]
    pe = jnp.zeros((maxlen, dim), dtype=jnp.float32)
    pe = pe.at[:, 0::2].set(jnp.sin(even))
    pe = pe.at[:, 1::2].set(jnp.cos(even))
    return pe


_NW = 32


@functools.partial(jax.jit, static_argnames=("batch", "seq", "dim", "scale"))
def _sc_gather_pe(table, idx2d, pe, *, batch, seq, dim, scale):
    CHUNK = seq // 2
    seqs_per_w = batch // _NW
    n_rows = batch * seq
    groups = dim // 16

    mesh = plsc.VectorSubcoreMesh(core_axis_name="c", subcore_axis_name="s")

    @functools.partial(
        pl.kernel,
        mesh=mesh,
        compiler_params=pltpu.CompilerParams(use_tc_tiling_on_sc=False),
        out_type=jax.ShapeDtypeStruct((n_rows, dim), jnp.float32),
        scratch_types=[
            pltpu.VMEM((2 * seqs_per_w, CHUNK), jnp.int32),
            pltpu.VMEM((seq, dim), jnp.float32),
            pltpu.VMEM((seq, dim), jnp.float32),
            pltpu.VMEM((seq, dim), jnp.float32),
            pltpu.VMEM((seq, dim), jnp.float32),
            pltpu.SemaphoreType.DMA,
        ],
    )
    def k(tab_hbm, idx_hbm, pe_hbm, out_hbm,
          idx_v, bufa, bufb, outv, pe_v, gsem):
        wid = lax.axis_index("s") * 2 + lax.axis_index("c")
        g0 = wid * seqs_per_w
        pltpu.sync_copy(idx_hbm.at[pl.ds(wid * 2 * seqs_per_w, 2 * seqs_per_w)],
                        idx_v)
        pltpu.sync_copy(pe_hbm, pe_v)

        def issue_gather(k_local, buf):
            pltpu.async_copy(
                tab_hbm.at[idx_v.at[2 * k_local]], buf.at[pl.ds(0, CHUNK)], gsem
            )
            pltpu.async_copy(
                tab_hbm.at[idx_v.at[2 * k_local + 1]],
                buf.at[pl.ds(CHUNK, CHUNK)], gsem,
            )

        def drain(sem, dst_ref, dummy_src):
            pltpu.make_async_copy(dummy_src, dst_ref, sem).wait()

        def compute(buf):
            def row_body(r, carry):
                for q in range(groups):
                    outv[r, pl.ds(q * 16, 16)] = (
                        buf[r, pl.ds(q * 16, 16)] * scale
                        + pe_v[r, pl.ds(q * 16, 16)]
                    )
                return carry

            lax.fori_loop(0, seq, row_body, 0, unroll=2)

        def slot(j, k_local, buf, other, issue_next):
            drain(gsem, buf, tab_hbm.at[pl.ds(0, seq)])
            if issue_next is None:
                issue_gather(k_local + 1, other)
            else:
                @pl.when(issue_next(j))
                def _():
                    issue_gather(k_local + 1, other)

            compute(buf)
            pltpu.sync_copy(outv, out_hbm.at[pl.ds((g0 + k_local) * seq, seq)])

        issue_gather(0, bufa)

        def pair_body(j, carry):
            slot(j, 2 * j, bufa, bufb, issue_next=None)
            slot(j, 2 * j + 1, bufb, bufa,
                 issue_next=lambda jj: jj <= seqs_per_w // 2 - 2)
            return carry

        lax.fori_loop(0, seqs_per_w // 2, pair_body, 0)

    return k(table, idx2d, pe)


def kernel(inp, table):
    B, S = inp.shape
    V, D = table.shape
    idx2d = inp.astype(jnp.int32).reshape(B * S // (S // 2), S // 2)
    pe = _sinusoidal_pe(S, D)
    scale = 1.0 / math.sqrt(float(B))
    out = _sc_gather_pe(table, idx2d, pe, batch=B, seq=S, dim=D, scale=scale)
    return out.reshape(B, S, D)

# --- scband reference (transcript-rebuilt; emitter-appended) ---
"""Pipeline reference for scband-positional-embedding-79568564126413 (READ-ONLY COPY).

The authoritative reference and input builder live on the scoring server;
editing this copy changes nothing except your own understanding.
"""

import jax, jax.numpy as jnp
import numpy as np

VOCAB = 1000000
EMB_DIM = 64


def positional_encoding(maxlen, dim):
    pos = jnp.arange(maxlen, dtype=jnp.float32)
    i = np.arange(dim)
    terms = jnp.asarray(1.0 / (10000.0 ** (2 * (i // 2) / dim)), dtype=jnp.float32)
    pe_val = pos[:, None] * terms[None, :]
    even = pe_val[:, 0::2]
    pe = jnp.zeros((maxlen, dim), dtype=jnp.float32)
    pe = pe.at[:, 0::2].set(jnp.sin(even))
    pe = pe.at[:, 1::2].set(jnp.cos(even))
    return pe


def setup_inputs(seed: int = 0) -> dict:
    key = jax.random.key(seed)
    k1, k2 = jax.random.split(key)
    inp = jax.random.randint(k1, (1024, 200), 0, VOCAB, dtype=jnp.int64 if jax.config.jax_enable_x64 else jnp.int32)
    table = jax.random.normal(k2, (VOCAB, EMB_DIM), dtype=jnp.float32)
    return {"inp": inp, "table": table}


def reference(inp, table):
    # WordEmbedding.forward: embedding(inp) / sqrt(inp.size(0))
    scale = jnp.sqrt(jnp.float32(inp.shape[0]))
    out = jnp.take(table, inp, axis=0) / scale
    # positional_embedding stacks the same [maxlen, dim] PE over batch -> broadcast
    pe = positional_encoding(out.shape[1], out.shape[2])
    # dropout(p=0.1) treated as identity (eval mode)
    return out + pe[None, :, :]

if __name__ == "__main__":
    import jax
    _d = setup_inputs()
    print(jax.jit(kernel)(*tuple(_d.values())))

</pallas_src>

<mosaic_0001>
#map = affine_map<(d0, d1) -> (0, 0)>
module attributes {stable_mosaic.version = 14 : i64} {
  func.func @k(%arg0: i32, %arg1: i32, %arg2: memref<1000000x64xf32, #tpu.memory_space<hbm>>, %arg3: memref<2048x100xi32, #tpu.memory_space<hbm>>, %arg4: memref<200x64xf32, #tpu.memory_space<hbm>>, %arg5: memref<204800x64xf32, #tpu.memory_space<hbm>>, %arg6: memref<64x100xi32, #tpu.memory_space<vmem>>, %arg7: memref<200x64xf32, #tpu.memory_space<vmem>>, %arg8: memref<200x64xf32, #tpu.memory_space<vmem>>, %arg9: memref<200x64xf32, #tpu.memory_space<vmem>>, %arg10: memref<200x64xf32, #tpu.memory_space<vmem>>, %arg11: memref<!tpu.dma_semaphore, #tpu.memory_space<semaphore_mem>>) attributes {dimension_semantics = [#tpu.dimension_semantics<core_parallel>, #tpu.dimension_semantics<subcore_parallel>], iteration_bounds = array<i64: 2, 16>, scalar_prefetch = 0 : i64, scratch_operands = 6 : i64, tpu.core_type = #tpu.core_type<sc_vector_subcore>, window_params = [{transform_indices = #map}, {transform_indices = #map}, {transform_indices = #map}, {transform_indices = #map}]} {
    %mul3A = arith.constant 2 : i32
    %mul3A_0 = arith.muli %arg1, %mul3A : i32
    %add3A = arith.addi %mul3A_0, %arg0 : i32
    %mul3A_1 = arith.constant 32 : i32
    %mul3A_2 = arith.muli %add3A, %mul3A_1 : i32
    %mul3A_3 = arith.constant 2 : i32
    %mul3A_4 = arith.muli %add3A, %mul3A_3 : i32
    %mul3A_5 = arith.constant 32 : i32
    %mul3A_6 = arith.muli %mul3A_4, %mul3A_5 : i32
    "tpu.region"() ({
      %run_scoped3A = tpu.sem_alloc : memref<!tpu.dma_semaphore, #tpu.memory_space<semaphore_mem>>
      %dma_start3A_31 = arith.constant 0 : i32
      %dma_start3A_32 = tpu.memref_slice %arg3[%mul3A_6, %dma_start3A_31] : memref<2048x100xi32, #tpu.memory_space<hbm>> -> memref<64x100xi32, #tpu.memory_space<hbm>>
      %dma_start3A_33 = arith.constant 0 : i32
      %dma_start3A_34 = tpu.memref_slice %arg3[%mul3A_6, %dma_start3A_33] : memref<2048x100xi32, #tpu.memory_space<hbm>> -> memref<64x100xi32, #tpu.memory_space<hbm>>
      tpu.enqueue_dma source(%dma_start3A_34 : memref<64x100xi32, #tpu.memory_space<hbm>>) target(%arg6 : memref<64x100xi32, #tpu.memory_space<vmem>>) target_semaphore(%run_scoped3A : memref<!tpu.dma_semaphore, #tpu.memory_space<semaphore_mem>>)
      %dma_wait3A = arith.constant 0 : i32
      %dma_wait3A_35 = tpu.memref_slice %arg3[%mul3A_6, %dma_wait3A] : memref<2048x100xi32, #tpu.memory_space<hbm>> -> memref<64x100xi32, #tpu.memory_space<hbm>>
      %dma_wait3A_36 = arith.constant 0 : i32
      %dma_wait3A_37 = tpu.memref_slice %arg3[%mul3A_6, %dma_wait3A_36] : memref<2048x100xi32, #tpu.memory_space<hbm>> -> memref<64x100xi32, #tpu.memory_space<hbm>>
      tpu.wait_dma2 semaphore(%run_scoped3A : memref<!tpu.dma_semaphore, #tpu.memory_space<semaphore_mem>>) src(%dma_wait3A_37 : memref<64x100xi32, #tpu.memory_space<hbm>>) dst(%arg6 : memref<64x100xi32, #tpu.memory_space<vmem>>)
      tpu.yield
    }) : () -> ()
    "tpu.region"() ({
      %run_scoped3A = tpu.sem_alloc : memref<!tpu.dma_semaphore, #tpu.memory_space<semaphore_mem>>
      tpu.enqueue_dma source(%arg4 : memref<200x64xf32, #tpu.memory_space<hbm>>) target(%arg10 : memref<200x64xf32, #tpu.memory_space<vmem>>) target_semaphore(%run_scoped3A : memref<!tpu.dma_semaphore, #tpu.memory_space<semaphore_mem>>)
      tpu.wait_dma2 semaphore(%run_scoped3A : memref<!tpu.dma_semaphore, #tpu.memory_space<semaphore_mem>>) src(%arg4 : memref<200x64xf32, #tpu.memory_space<hbm>>) dst(%arg10 : memref<200x64xf32, #tpu.memory_space<vmem>>)
      tpu.yield
    }) : () -> ()
    %dma_start3A = arith.constant 0 : i32
    %dma_start3A_7 = arith.constant 0 : i32
    %dma_start3A_8 = arith.constant 0 : i32
    %dma_start3A_9 = tpu.memref_slice %arg7[%dma_start3A_7, %dma_start3A_8] : memref<200x64xf32, #tpu.memory_space<vmem>> -> memref<100x64xf32, #tpu.memory_space<vmem>>
    %dma_start3A_10 = arith.constant 0 : i32
    %dma_start3A_11 = tpu.memref_slice %arg6[%dma_start3A, %dma_start3A_10] : memref<64x100xi32, #tpu.memory_space<vmem>> -> memref<1x100xi32, #tpu.memory_space<vmem>>
    %dma_start3A_12 = tpu.memref_squeeze %dma_start3A_11 : memref<1x100xi32, #tpu.memory_space<vmem>> -> memref<100xi32, #tpu.memory_space<vmem>>
    %dma_start3A_13 = arith.constant 0 : i32
    %dma_start3A_14 = arith.constant 0 : i32
    %dma_start3A_15 = tpu.memref_slice %arg2[%dma_start3A_13, %dma_start3A_14] : memref<1000000x64xf32, #tpu.memory_space<hbm>> -> memref<1000000x64xf32, #tpu.memory_space<hbm>>
    tpu.enqueue_indirect_dma source(%dma_start3A_15 : memref<1000000x64xf32, #tpu.memory_space<hbm>>) target(%dma_start3A_9 : memref<100x64xf32, #tpu.memory_space<vmem>>) offsets(%dma_start3A_12 : memref<100xi32, #tpu.memory_space<vmem>>) semaphore(%arg11 : memref<!tpu.dma_semaphore, #tpu.memory_space<semaphore_mem>>)
    %dma_start3A_16 = arith.constant 1 : i32
    %dma_start3A_17 = arith.constant 100 : i32
    %dma_start3A_18 = arith.constant 0 : i32
    %dma_start3A_19 = tpu.memref_slice %arg7[%dma_start3A_17, %dma_start3A_18] : memref<200x64xf32, #tpu.memory_space<vmem>> -> memref<100x64xf32, #tpu.memory_space<vmem>>
    %dma_start3A_20 = arith.constant 0 : i32
    %dma_start3A_21 = tpu.memref_slice %arg6[%dma_start3A_16, %dma_start3A_20] : memref<64x100xi32, #tpu.memory_space<vmem>> -> memref<1x100xi32, #tpu.memory_space<vmem>>
    %dma_start3A_22 = tpu.memref_squeeze %dma_start3A_21 : memref<1x100xi32, #tpu.memory_space<vmem>> -> memref<100xi32, #tpu.memory_space<vmem>>
    %dma_start3A_23 = arith.constant 0 : i32
    %dma_start3A_24 = arith.constant 0 : i32
    %dma_start3A_25 = tpu.memref_slice %arg2[%dma_start3A_23, %dma_start3A_24] : memref<1000000x64xf32, #tpu.memory_space<hbm>> -> memref<1000000x64xf32, #tpu.memory_space<hbm>>
    tpu.enqueue_indirect_dma source(%dma_start3A_25 : memref<1000000x64xf32, #tpu.memory_space<hbm>>) target(%dma_start3A_19 : memref<100x64xf32, #tpu.memory_space<vmem>>) offsets(%dma_start3A_22 : memref<100xi32, #tpu.memory_space<vmem>>) semaphore(%arg11 : memref<!tpu.dma_semaphore, #tpu.memory_space<semaphore_mem>>)
    %scan3A = arith.constant 0 : i32
    %scan3A_26 = arith.constant 0 : i32
    %scan3A_27 = arith.constant 16 : i32
    %scan3A_28 = arith.addi %scan3A_26, %scan3A_27 : i32
    %scan3A_29 = arith.constant 1 : i32
    scf.for %scan3A_31 = %scan3A_26 to %scan3A_28 step %scan3A_29  : i32 {
      %mul3A_32 = arith.constant 2 : i32
      %mul3A_33 = arith.muli %mul3A_32, %scan3A_31 : i32
      %dma_wait3A = arith.constant 0 : i32
      %dma_wait3A_34 = arith.constant 0 : i32
      %dma_wait3A_35 = tpu.memref_slice %arg2[%dma_wait3A, %dma_wait3A_34] : memref<1000000x64xf32, #tpu.memory_space<hbm>> -> memref<200x64xf32, #tpu.memory_space<hbm>>
      %dma_wait3A_36 = arith.constant 0 : i32
      %dma_wait3A_37 = arith.constant 0 : i32
      %dma_wait3A_38 = tpu.memref_slice %arg2[%dma_wait3A_36, %dma_wait3A_37] : memref<1000000x64xf32, #tpu.memory_space<hbm>> -> memref<200x64xf32, #tpu.memory_space<hbm>>
      tpu.wait_dma2 semaphore(%arg11 : memref<!tpu.dma_semaphore, #tpu.memory_space<semaphore_mem>>) src(%dma_wait3A_38 : memref<200x64xf32, #tpu.memory_space<hbm>>) dst(%arg7 : memref<200x64xf32, #tpu.memory_space<vmem>>)
      %add3A_39 = arith.constant 1 : i32
      %add3A_40 = arith.addi %mul3A_33, %add3A_39 : i32
      %mul3A_41 = arith.constant 2 : i32
      %mul3A_42 = arith.muli %mul3A_41, %add3A_40 : i32
      %dma_start3A_43 = arith.constant 0 : i32
      %dma_start3A_44 = arith.constant 0 : i32
      %dma_start3A_45 = tpu.memref_slice %arg8[%dma_start3A_43, %dma_start3A_44] : memref<200x64xf32, #tpu.memory_space<vmem>> -> memref<100x64xf32, #tpu.memory_space<vmem>>
      %dma_start3A_46 = arith.constant 0 : i32
      %dma_start3A_47 = tpu.memref_slice %arg6[%mul3A_42, %dma_start3A_46] : memref<64x100xi32, #tpu.memory_space<vmem>> -> memref<1x100xi32, #tpu.memory_space<vmem>>
      %dma_start3A_48 = tpu.memref_squeeze %dma_start3A_47 : memref<1x100xi32, #tpu.memory_space<vmem>> -> memref<100xi32, #tpu.memory_space<vmem>>
      %dma_start3A_49 = arith.constant 0 : i32
      %dma_start3A_50 = arith.constant 0 : i32
      %dma_start3A_51 = tpu.memref_slice %arg2[%dma_start3A_49, %dma_start3A_50] : memref<1000000x64xf32, #tpu.memory_space<hbm>> -> memref<1000000x64xf32, #tpu.memory_space<hbm>>
      tpu.enqueue_indirect_dma source(%dma_start3A_51 : memref<1000000x64xf32, #tpu.memory_space<hbm>>) target(%dma_start3A_45 : memref<100x64xf32, #tpu.memory_space<vmem>>) offsets(%dma_start3A_48 : memref<100xi32, #tpu.memory_space<vmem>>) semaphore(%arg11 : memref<!tpu.dma_semaphore, #tpu.memory_space<semaphore_mem>>)
      %mul3A_52 = arith.constant 2 : i32
      %mul3A_53 = arith.muli %mul3A_52, %add3A_40 : i32
      %add3A_54 = arith.constant 1 : i32
      %add3A_55 = arith.addi %mul3A_53, %add3A_54 : i32
      %dma_start3A_56 = arith.constant 100 : i32
      %dma_start3A_57 = arith.constant 0 : i32
      %dma_start3A_58 = tpu.memref_slice %arg8[%dma_start3A_56, %dma_start3A_57] : memref<200x64xf32, #tpu.memory_space<vmem>> -> memref<100x64xf32, #tpu.memory_space<vmem>>
      %dma_start3A_59 = arith.constant 0 : i32
      %dma_start3A_60 = tpu.memref_slice %arg6[%add3A_55, %dma_start3A_59] : memref<64x100xi32, #tpu.memory_space<vmem>> -> memref<1x100xi32, #tpu.memory_space<vmem>>
      %dma_start3A_61 = tpu.memref_squeeze %dma_start3A_60 : memref<1x100xi32, #tpu.memory_space<vmem>> -> memref<100xi32, #tpu.memory_space<vmem>>
      %dma_start3A_62 = arith.constant 0 : i32
      %dma_start3A_63 = arith.constant 0 : i32
      %dma_start3A_64 = tpu.memref_slice %arg2[%dma_start3A_62, %dma_start3A_63] : memref<1000000x64xf32, #tpu.memory_space<hbm>> -> memref<1000000x64xf32, #tpu.memory_space<hbm>>
      tpu.enqueue_indirect_dma source(%dma_start3A_64 : memref<1000000x64xf32, #tpu.memory_space<hbm>>) target(%dma_start3A_58 : memref<100x64xf32, #tpu.memory_space<vmem>>) offsets(%dma_start3A_61 : memref<100xi32, #tpu.memory_space<vmem>>) semaphore(%arg11 : memref<!tpu.dma_semaphore, #tpu.memory_space<semaphore_mem>>)
      %scan3A_65 = arith.constant 0 : i32
      %scan3A_66 = arith.constant 0 : i32
      %scan3A_67 = arith.constant 200 : i32
      %scan3A_68 = arith.addi %scan3A_66, %scan3A_67 : i32
      %scan3A_69 = arith.constant 2 : i32
      scf.for %scan3A_95 = %scan3A_66 to %scan3A_68 step %scan3A_69  : i32 {
        %get3A = arith.index_cast %scan3A_95 : i32 to index
        %get3A_96 = arith.constant 0 : index
        %get3A_97 = tpu.vector_load %arg7[%get3A, %get3A_96] {strides = array<i32>} : memref<200x64xf32, #tpu.memory_space<vmem>>, vector<1x16xf32>,
        %get3A_98 = vector.shape_cast %get3A_97 : vector<1x16xf32> to vector<16xf32>
        %mul3A_99 = arith.constant 3.125000e-02 : f32
        %mul3A_100 = vector.broadcast %mul3A_99 : f32 to vector<16xf32>
        %mul3A_101 = arith.mulf %get3A_98, %mul3A_100 : vector<16xf32>
        %get3A_102 = arith.index_cast %scan3A_95 : i32 to index
        %get3A_103 = arith.constant 0 : index
        %get3A_104 = tpu.vector_load %arg10[%get3A_102, %get3A_103] {strides = array<i32>} : memref<200x64xf32, #tpu.memory_space<vmem>>, vector<1x16xf32>,
        %get3A_105 = vector.shape_cast %get3A_104 : vector<1x16xf32> to vector<16xf32>
        %add3A_106 = arith.addf %mul3A_101, %get3A_105 : vector<16xf32>
        %swap3A = arith.index_cast %scan3A_95 : i32 to index
        %swap3A_107 = arith.constant 0 : index
        %swap3A_108 = tpu.vector_load %arg9[%swap3A, %swap3A_107] {strides = array<i32>} : memref<200x64xf32, #tpu.memory_space<vmem>>, vector<1x16xf32>,
        %swap3A_109 = vector.shape_cast %swap3A_108 : vector<1x16xf32> to vector<16xf32>
        %swap3A_110 = vector.shape_cast %add3A_106 : vector<16xf32> to vector<1x16xf32>
        tpu.vector_store %arg9[%swap3A, %swap3A_107], %swap3A_110 {strides = array<i32>} : memref<200x64xf32, #tpu.memory_space<vmem>>, vector<1x16xf32>,
        %get3A_111 = arith.index_cast %scan3A_95 : i32 to index
        %get3A_112 = arith.constant 16 : index
        %get3A_113 = tpu.vector_load %arg7[%get3A_111, %get3A_112] {strides = array<i32>} : memref<200x64xf32, #tpu.memory_space<vmem>>, vector<1x16xf32>,
        %get3A_114 = vector.shape_cast %get3A_113 : vector<1x16xf32> to vector<16xf32>
        %mul3A_115 = arith.constant 3.125000e-02 : f32
        %mul3A_116 = vector.broadcast %mul3A_115 : f32 to vector<16xf32>
        %mul3A_117 = arith.mulf %get3A_114, %mul3A_116 : vector<16xf32>
        %get3A_118 = arith.index_cast %scan3A_95 : i32 to index
        %get3A_119 = arith.constant 16 : index
        %get3A_120 = tpu.vector_load %arg10[%get3A_118, %get3A_119] {strides = array<i32>} : memref<200x64xf32, #tpu.memory_space<vmem>>, vector<1x16xf32>,
        %get3A_121 = vector.shape_cast %get3A_120 : vector<1x16xf32> to vector<16xf32>
        %add3A_122 = arith.addf %mul3A_117, %get3A_121 : vector<16xf32>
        %swap3A_123 = arith.index_cast %scan3A_95 : i32 to index
        %swap3A_124 = arith.constant 16 : index
        %swap3A_125 = tpu.vector_load %arg9[%swap3A_123, %swap3A_124] {strides = array<i32>} : memref<200x64xf32, #tpu.memory_space<vmem>>, vector<1x16xf32>,
        %swap3A_126 = vector.shape_cast %swap3A_125 : vector<1x16xf32> to vector<16xf32>
        %swap3A_127 = vector.shape_cast %add3A_122 : vector<16xf32> to vector<1x16xf32>
        tpu.vector_store %arg9[%swap3A_123, %swap3A_124], %swap3A_127 {strides = array<i32>} : memref<200x64xf32, #tpu.memory_space<vmem>>, vector<1x16xf32>,
        %get3A_128 = arith.index_cast %scan3A_95 : i32 to index
        %get3A_129 = arith.constant 32 : index
        %get3A_130 = tpu.vector_load %arg7[%get3A_128, %get3A_129] {strides = array<i32>} : memref<200x64xf32, #tpu.memory_space<vmem>>, vector<1x16xf32>,
        %get3A_131 = vector.shape_cast %get3A_130 : vector<1x16xf32> to vector<16xf32>
        %mul3A_132 = arith.constant 3.125000e-02 : f32
        %mul3A_133 = vector.broadcast %mul3A_132 : f32 to vector<16xf32>
        %mul3A_134 = arith.mulf %get3A_131, %mul3A_133 : vector<16xf32>
        %get3A_135 = arith.index_cast %scan3A_95 : i32 to index
        %get3A_136 = arith.constant 32 : index
        %get3A_137 = tpu.vector_load %arg10[%get3A_135, %get3A_136] {strides = array<i32>} : memref<200x64xf32, #tpu.memory_space<vmem>>, vector<1x16xf32>,
        %get3A_138 = vector.shape_cast %get3A_137 : vector<1x16xf32> to vector<16xf32>
        %add3A_139 = arith.addf %mul3A_134, %get3A_138 : vector<16xf32>
        %swap3A_140 = arith.index_cast %scan3A_95 : i32 to index
        %swap3A_141 = arith.constant 32 : index
        %swap3A_142 = tpu.vector_load %arg9[%swap3A_140, %swap3A_141] {strides = array<i32>} : memref<200x64xf32, #tpu.memory_space<vmem>>, vector<1x16xf32>,
        %swap3A_143 = vector.shape_cast %swap3A_142 : vector<1x16xf32> to vector<16xf32>
        %swap3A_144 = vector.shape_cast %add3A_139 : vector<16xf32> to vector<1x16xf32>
        tpu.vector_store %arg9[%swap3A_140, %swap3A_141], %swap3A_144 {strides = array<i32>} : memref<200x64xf32, #tpu.memory_space<vmem>>, vector<1x16xf32>,
        %get3A_145 = arith.index_cast %scan3A_95 : i32 to index
        %get3A_146 = arith.constant 48 : index
        %get3A_147 = tpu.vector_load %arg7[%get3A_145, %get3A_146] {strides = array<i32>} : memref<200x64xf32, #tpu.memory_space<vmem>>, vector<1x16xf32>,
        %get3A_148 = vector.shape_cast %get3A_147 : vector<1x16xf32> to vector<16xf32>
        %mul3A_149 = arith.constant 3.125000e-02 : f32
        %mul3A_150 = vector.broadcast %mul3A_149 : f32 to vector<16xf32>
        %mul3A_151 = arith.mulf %get3A_148, %mul3A_150 : vector<16xf32>
        %get3A_152 = arith.index_cast %scan3A_95 : i32 to index
        %get3A_153 = arith.constant 48 : index
        %get3A_154 = tpu.vector_load %arg10[%get3A_152, %get3A_153] {strides = array<i32>} : memref<200x64xf32, #tpu.memory_space<vmem>>, vector<1x16xf32>,
        %get3A_155 = vector.shape_cast %get3A_154 : vector<1x16xf32> to vector<16xf32>
        %add3A_156 = arith.addf %mul3A_151, %get3A_155 : vector<16xf32>
        %swap3A_157 = arith.index_cast %scan3A_95 : i32 to index
        %swap3A_158 = arith.constant 48 : index
        %swap3A_159 = tpu.vector_load %arg9[%swap3A_157, %swap3A_158] {strides = array<i32>} : memref<200x64xf32, #tpu.memory_space<vmem>>, vector<1x16xf32>,
        %swap3A_160 = vector.shape_cast %swap3A_159 : vector<1x16xf32> to vector<16xf32>
        %swap3A_161 = vector.shape_cast %add3A_156 : vector<16xf32> to vector<1x16xf32>
        tpu.vector_store %arg9[%swap3A_157, %swap3A_158], %swap3A_161 {strides = array<i32>} : memref<200x64xf32, #tpu.memory_space<vmem>>, vector<1x16xf32>,
        %scan3A_162 = arith.constant 1 : i32
        %scan3A_163 = arith.addi %scan3A_95, %scan3A_162 : i32
        %get3A_164 = arith.index_cast %scan3A_163 : i32 to index
        %get3A_165 = arith.constant 0 : index
        %get3A_166 = tpu.vector_load %arg7[%get3A_164, %get3A_165] {strides = array<i32>} : memref<200x64xf32, #tpu.memory_space<vmem>>, vector<1x16xf32>,
        %get3A_167 = vector.shape_cast %get3A_166 : vector<1x16xf32> to vector<16xf32>
        %mul3A_168 = arith.constant 3.125000e-02 : f32
        %mul3A_169 = vector.broadcast %mul3A_168 : f32 to vector<16xf32>
        %mul3A_170 = arith.mulf %get3A_167, %mul3A_169 : vector<16xf32>
        %get3A_171 = arith.index_cast %scan3A_163 : i32 to index
        %get3A_172 = arith.constant 0 : index
        %get3A_173 = tpu.vector_load %arg10[%get3A_171, %get3A_172] {strides = array<i32>} : memref<200x64xf32, #tpu.memory_space<vmem>>, vector<1x16xf32>,
        %get3A_174 = vector.shape_cast %get3A_173 : vector<1x16xf32> to vector<16xf32>
        %add3A_175 = arith.addf %mul3A_170, %get3A_174 : vector<16xf32>
        %swap3A_176 = arith.index_cast %scan3A_163 : i32 to index
        %swap3A_177 = arith.constant 0 : index
        %swap3A_178 = tpu.vector_load %arg9[%swap3A_176, %swap3A_177] {strides = array<i32>} : memref<200x64xf32, #tpu.memory_space<vmem>>, vector<1x16xf32>,
        %swap3A_179 = vector.shape_cast %swap3A_178 : vector<1x16xf32> to vector<16xf32>
        %swap3A_180 = vector.shape_cast %add3A_175 : vector<16xf32> to vector<1x16xf32>
        tpu.vector_store %arg9[%swap3A_176, %swap3A_177], %swap3A_180 {strides = array<i32>} : memref<200x64xf32, #tpu.memory_space<vmem>>, vector<1x16xf32>,
        %get3A_181 = arith.index_cast %scan3A_163 : i32 to index
        %get3A_182 = arith.constant 16 : index
        %get3A_183 = tpu.vector_load %arg7[%get3A_181, %get3A_182] {strides = array<i32>} : memref<200x64xf32, #tpu.memory_space<vmem>>, vector<1x16xf32>,
        %get3A_184 = vector.shape_cast %get3A_183 : vector<1x16xf32> to vector<16xf32>
        %mul3A_185 = arith.constant 3.125000e-02 : f32
        %mul3A_186 = vector.broadcast %mul3A_185 : f32 to vector<16xf32>
        %mul3A_187 = arith.mulf %get3A_184, %mul3A_186 : vector<16xf32>
        %get3A_188 = arith.index_cast %scan3A_163 : i32 to index
        %get3A_189 = arith.constant 16 : index
        %get3A_190 = tpu.vector_load %arg10[%get3A_188, %get3A_189] {strides = array<i32>} : memref<200x64xf32, #tpu.memory_space<vmem>>, vector<1x16xf32>,
        %get3A_191 = vector.shape_cast %get3A_190 : vector<1x16xf32> to vector<16xf32>
        %add3A_192 = arith.addf %mul3A_187, %get3A_191 : vector<16xf32>
        %swap3A_193 = arith.index_cast %scan3A_163 : i32 to index
        %swap3A_194 = arith.constant 16 : index
        %swap3A_195 = tpu.vector_load %arg9[%swap3A_193, %swap3A_194] {strides = array<i32>} : memref<200x64xf32, #tpu.memory_space<vmem>>, vector<1x16xf32>,
        %swap3A_196 = vector.shape_cast %swap3A_195 : vector<1x16xf32> to vector<16xf32>
        %swap3A_197 = vector.shape_cast %add3A_192 : vector<16xf32> to vector<1x16xf32>
        tpu.vector_store %arg9[%swap3A_193, %swap3A_194], %swap3A_197 {strides = array<i32>} : memref<200x64xf32, #tpu.memory_space<vmem>>, vector<1x16xf32>,
        %get3A_198 = arith.index_cast %scan3A_163 : i32 to index
        %get3A_199 = arith.constant 32 : index
        %get3A_200 = tpu.vector_load %arg7[%get3A_198, %get3A_199] {strides = array<i32>} : memref<200x64xf32, #tpu.memory_space<vmem>>, vector<1x16xf32>,
        %get3A_201 = vector.shape_cast %get3A_200 : vector<1x16xf32> to vector<16xf32>
        %mul3A_202 = arith.constant 3.125000e-02 : f32
        %mul3A_203 = vector.broadcast %mul3A_202 : f32 to vector<16xf32>
        %mul3A_204 = arith.mulf %get3A_201, %mul3A_203 : vector<16xf32>
        %get3A_205 = arith.index_cast %scan3A_163 : i32 to index
        %get3A_206 = arith.constant 32 : index
        %get3A_207 = tpu.vector_load %arg10[%get3A_205, %get3A_206] {strides = array<i32>} : memref<200x64xf32, #tpu.memory_space<vmem>>, vector<1x16xf32>,
        %get3A_208 = vector.shape_cast %get3A_207 : vector<1x16xf32> to vector<16xf32>
        %add3A_209 = arith.addf %mul3A_204, %get3A_208 : vector<16xf32>
        %swap3A_210 = arith.index_cast %scan3A_163 : i32 to index
        %swap3A_211 = arith.constant 32 : index
        %swap3A_212 = tpu.vector_load %arg9[%swap3A_210, %swap3A_211] {strides = array<i32>} : memref<200x64xf32, #tpu.memory_space<vmem>>, vector<1x16xf32>,
        %swap3A_213 = vector.shape_cast %swap3A_212 : vector<1x16xf32> to vector<16xf32>
        %swap3A_214 = vector.shape_cast %add3A_209 : vector<16xf32> to vector<1x16xf32>
        tpu.vector_store %arg9[%swap3A_210, %swap3A_211], %swap3A_214 {strides = array<i32>} : memref<200x64xf32, #tpu.memory_space<vmem>>, vector<1x16xf32>,
        %get3A_215 = arith.index_cast %scan3A_163 : i32 to index
        %get3A_216 = arith.constant 48 : index
        %get3A_217 = tpu.vector_load %arg7[%get3A_215, %get3A_216] {strides = array<i32>} : memref<200x64xf32, #tpu.memory_space<vmem>>, vector<1x16xf32>,
        %get3A_218 = vector.shape_cast %get3A_217 : vector<1x16xf32> to vector<16xf32>
        %mul3A_219 = arith.constant 3.125000e-02 : f32
        %mul3A_220 = vector.broadcast %mul3A_219 : f32 to vector<16xf32>
        %mul3A_221 = arith.mulf %get3A_218, %mul3A_220 : vector<16xf32>
        %get3A_222 = arith.index_cast %scan3A_163 : i32 to index
        %get3A_223 = arith.constant 48 : index
        %get3A_224 = tpu.vector_load %arg10[%get3A_222, %get3A_223] {strides = array<i32>} : memref<200x64xf32, #tpu.memory_space<vmem>>, vector<1x16xf32>,
        %get3A_225 = vector.shape_cast %get3A_224 : vector<1x16xf32> to vector<16xf32>
        %add3A_226 = arith.addf %mul3A_221, %get3A_225 : vector<16xf32>
        %swap3A_227 = arith.index_cast %scan3A_163 : i32 to index
        %swap3A_228 = arith.constant 48 : index
        %swap3A_229 = tpu.vector_load %arg9[%swap3A_227, %swap3A_228] {strides = array<i32>} : memref<200x64xf32, #tpu.memory_space<vmem>>, vector<1x16xf32>,
        %swap3A_230 = vector.shape_cast %swap3A_229 : vector<1x16xf32> to vector<16xf32>
        %swap3A_231 = vector.shape_cast %add3A_226 : vector<16xf32> to vector<1x16xf32>
        tpu.vector_store %arg9[%swap3A_227, %swap3A_228], %swap3A_231 {strides = array<i32>} : memref<200x64xf32, #tpu.memory_space<vmem>>, vector<1x16xf32>,
      }
      %scan3A_70 = arith.constant 200 : i32
      %add3A_71 = arith.addi %mul3A_2, %mul3A_33 : i32
      %mul3A_72 = arith.constant 200 : i32
      %mul3A_73 = arith.muli %add3A_71, %mul3A_72 : i32
      "tpu.region"() ({
        %run_scoped3A = tpu.sem_alloc : memref<!tpu.dma_semaphore, #tpu.memory_space<semaphore_mem>>
        %dma_start3A_95 = arith.constant 0 : i32
        %dma_start3A_96 = tpu.memref_slice %arg5[%mul3A_73, %dma_start3A_95] : memref<204800x64xf32, #tpu.memory_space<hbm>> -> memref<200x64xf32, #tpu.memory_space<hbm>>
        %dma_start3A_97 = arith.constant 0 : i32
        %dma_start3A_98 = tpu.memref_slice %arg5[%mul3A_73, %dma_start3A_97] : memref<204800x64xf32, #tpu.memory_space<hbm>> -> memref<200x64xf32, #tpu.memory_space<hbm>>
        tpu.enqueue_dma source(%arg9 : memref<200x64xf32, #tpu.memory_space<vmem>>) target(%dma_start3A_98 : memref<200x64xf32, #tpu.memory_space<hbm>>) target_semaphore(%run_scoped3A : memref<!tpu.dma_semaphore, #tpu.memory_space<semaphore_mem>>)
        %dma_wait3A_99 = arith.constant 0 : i32
        %dma_wait3A_100 = tpu.memref_slice %arg5[%mul3A_73, %dma_wait3A_99] : memref<204800x64xf32, #tpu.memory_space<hbm>> -> memref<200x64xf32, #tpu.memory_space<hbm>>
        %dma_wait3A_101 = arith.constant 0 : i32
        %dma_wait3A_102 = tpu.memref_slice %arg5[%mul3A_73, %dma_wait3A_101] : memref<204800x64xf32, #tpu.memory_space<hbm>> -> memref<200x64xf32, #tpu.memory_space<hbm>>
        tpu.wait_dma2 semaphore(%run_scoped3A : memref<!tpu.dma_semaphore, #tpu.memory_space<semaphore_mem>>) src(%arg9 : memref<200x64xf32, #tpu.memory_space<vmem>>) dst(%dma_wait3A_102 : memref<200x64xf32, #tpu.memory_space<hbm>>)
        tpu.yield
      }) : () -> ()
      %mul3A_74 = arith.constant 2 : i32
      %mul3A_75 = arith.muli %mul3A_74, %scan3A_31 : i32
      %add3A_76 = arith.constant 1 : i32
      %add3A_77 = arith.addi %mul3A_75, %add3A_76 : i32
      %dma_wait3A_78 = arith.constant 0 : i32
      %dma_wait3A_79 = arith.constant 0 : i32
      %dma_wait3A_80 = tpu.memref_slice %arg2[%dma_wait3A_78, %dma_wait3A_79] : memref<1000000x64xf32, #tpu.memory_space<hbm>> -> memref<200x64xf32, #tpu.memory_space<hbm>>
      %dma_wait3A_81 = arith.constant 0 : i32
      %dma_wait3A_82 = arith.constant 0 : i32
      %dma_wait3A_83 = tpu.memref_slice %arg2[%dma_wait3A_81, %dma_wait3A_82] : memref<1000000x64xf32, #tpu.memory_space<hbm>> -> memref<200x64xf32, #tpu.memory_space<hbm>>
      tpu.wait_dma2 semaphore(%arg11 : memref<!tpu.dma_semaphore, #tpu.memory_space<semaphore_mem>>) src(%dma_wait3A_83 : memref<200x64xf32, #tpu.memory_space<hbm>>) dst(%arg8 : memref<200x64xf32, #tpu.memory_space<vmem>>)
      %le3A = arith.constant 14 : i32
      %le3A_84 = arith.cmpi sle, %scan3A_31, %le3A : i32
      %convert_element_type3A = arith.extui %le3A_84 : i1 to i32
      %cond3A = arith.constant 0 : i32
      %cond3A_85 = arith.cmpi ne, %convert_element_type3A, %cond3A : i32
      scf.if %cond3A_85 {
        %add3A_95 = arith.constant 1 : i32
        %add3A_96 = arith.addi %add3A_77, %add3A_95 : i32
        %mul3A_97 = arith.constant 2 : i32
        %mul3A_98 = arith.muli %mul3A_97, %add3A_96 : i32
        %dma_start3A_99 = arith.constant 0 : i32
        %dma_start3A_100 = arith.constant 0 : i32
        %dma_start3A_101 = tpu.memref_slice %arg7[%dma_start3A_99, %dma_start3A_100] : memref<200x64xf32, #tpu.memory_space<vmem>> -> memref<100x64xf32, #tpu.memory_space<vmem>>
        %dma_start3A_102 = arith.constant 0 : i32
        %dma_start3A_103 = tpu.memref_slice %arg6[%mul3A_98, %dma_start3A_102] : memref<64x100xi32, #tpu.memory_space<vmem>> -> memref<1x100xi32, #tpu.memory_space<vmem>>
        %dma_start3A_104 = tpu.memref_squeeze %dma_start3A_103 : memref<1x100xi32, #tpu.memory_space<vmem>> -> memref<100xi32, #tpu.memory_space<vmem>>
        %dma_start3A_105 = arith.constant 0 : i32
        %dma_start3A_106 = arith.constant 0 : i32
        %dma_start3A_107 = tpu.memref_slice %arg2[%dma_start3A_105, %dma_start3A_106] : memref<1000000x64xf32, #tpu.memory_space<hbm>> -> memref<1000000x64xf32, #tpu.memory_space<hbm>>
        tpu.enqueue_indirect_dma source(%dma_start3A_107 : memref<1000000x64xf32, #tpu.memory_space<hbm>>) target(%dma_start3A_101 : memref<100x64xf32, #tpu.memory_space<vmem>>) offsets(%dma_start3A_104 : memref<100xi32, #tpu.memory_space<vmem>>) semaphore(%arg11 : memref<!tpu.dma_semaphore, #tpu.memory_space<semaphore_mem>>)
        %mul3A_108 = arith.constant 2 : i32
        %mul3A_109 = arith.muli %mul3A_108, %add3A_96 : i32
        %add3A_110 = arith.constant 1 : i32
        %add3A_111 = arith.addi %mul3A_109, %add3A_110 : i32
        %dma_start3A_112 = arith.constant 100 : i32
        %dma_start3A_113 = arith.constant 0 : i32
        %dma_start3A_114 = tpu.memref_slice %arg7[%dma_start3A_112, %dma_start3A_113] : memref<200x64xf32, #tpu.memory_space<vmem>> -> memref<100x64xf32, #tpu.memory_space<vmem>>
        %dma_start3A_115 = arith.constant 0 : i32
        %dma_start3A_116 = tpu.memref_slice %arg6[%add3A_111, %dma_start3A_115] : memref<64x100xi32, #tpu.memory_space<vmem>> -> memref<1x100xi32, #tpu.memory_space<vmem>>
        %dma_start3A_117 = tpu.memref_squeeze %dma_start3A_116 : memref<1x100xi32, #tpu.memory_space<vmem>> -> memref<100xi32, #tpu.memory_space<vmem>>
        %dma_start3A_118 = arith.constant 0 : i32
        %dma_start3A_119 = arith.constant 0 : i32
        %dma_start3A_120 = tpu.memref_slice %arg2[%dma_start3A_118, %dma_start3A_119] : memref<1000000x64xf32, #tpu.memory_space<hbm>> -> memref<1000000x64xf32, #tpu.memory_space<hbm>>
        tpu.enqueue_indirect_dma source(%dma_start3A_120 : memref<1000000x64xf32, #tpu.memory_space<hbm>>) target(%dma_start3A_114 : memref<100x64xf32, #tpu.memory_space<vmem>>) offsets(%dma_start3A_117 : memref<100xi32, #tpu.memory_space<vmem>>) semaphore(%arg11 : memref<!tpu.dma_semaphore, #tpu.memory_space<semaphore_mem>>)
      } else {
      }
      %scan3A_86 = arith.constant 0 : i32
      %scan3A_87 = arith.constant 0 : i32
      %scan3A_88 = arith.constant 200 : i32
      %scan3A_89 = arith.addi %scan3A_87, %scan3A_88 : i32
      %scan3A_90 = arith.constant 2 : i32
      scf.for %scan3A_95 = %scan3A_87 to %scan3A_89 step %scan3A_90  : i32 {
        %get3A = arith.index_cast %scan3A_95 : i32 to index
        %get3A_96 = arith.constant 0 : index
        %get3A_97 = tpu.vector_load %arg8[%get3A, %get3A_96] {strides = array<i32>} : memref<200x64xf32, #tpu.memory_space<vmem>>, vector<1x16xf32>,
        %get3A_98 = vector.shape_cast %get3A_97 : vector<1x16xf32> to vector<16xf32>
        %mul3A_99 = arith.constant 3.125000e-02 : f32
        %mul3A_100 = vector.broadcast %mul3A_99 : f32 to vector<16xf32>
        %mul3A_101 = arith.mulf %get3A_98, %mul3A_100 : vector<16xf32>
        %get3A_102 = arith.index_cast %scan3A_95 : i32 to index
        %get3A_103 = arith.constant 0 : index
        %get3A_104 = tpu.vector_load %arg10[%get3A_102, %get3A_103] {strides = array<i32>} : memref<200x64xf32, #tpu.memory_space<vmem>>, vector<1x16xf32>,
        %get3A_105 = vector.shape_cast %get3A_104 : vector<1x16xf32> to vector<16xf32>
        %add3A_106 = arith.addf %mul3A_101, %get3A_105 : vector<16xf32>
        %swap3A = arith.index_cast %scan3A_95 : i32 to index
        %swap3A_107 = arith.constant 0 : index
        %swap3A_108 = tpu.vector_load %arg9[%swap3A, %swap3A_107] {strides = array<i32>} : memref<200x64xf32, #tpu.memory_space<vmem>>, vector<1x16xf32>,
        %swap3A_109 = vector.shape_cast %swap3A_108 : vector<1x16xf32> to vector<16xf32>
        %swap3A_110 = vector.shape_cast %add3A_106 : vector<16xf32> to vector<1x16xf32>
        tpu.vector_store %arg9[%swap3A, %swap3A_107], %swap3A_110 {strides = array<i32>} : memref<200x64xf32, #tpu.memory_space<vmem>>, vector<1x16xf32>,
        %get3A_111 = arith.index_cast %scan3A_95 : i32 to index
        %get3A_112 = arith.constant 16 : index
        %get3A_113 = tpu.vector_load %arg8[%get3A_111, %get3A_112] {strides = array<i32>} : memref<200x64xf32, #tpu.memory_space<vmem>>, vector<1x16xf32>,
        %get3A_114 = vector.shape_cast %get3A_113 : vector<1x16xf32> to vector<16xf32>
        %mul3A_115 = arith.constant 3.125000e-02 : f32
        %mul3A_116 = vector.broadcast %mul3A_115 : f32 to vector<16xf32>
        %mul3A_117 = arith.mulf %get3A_114, %mul3A_116 : vector<16xf32>
        %get3A_118 = arith.index_cast %scan3A_95 : i32 to index
        %get3A_119 = arith.constant 16 : index
        %get3A_120 = tpu.vector_load %arg10[%get3A_118, %get3A_119] {strides = array<i32>} : memref<200x64xf32, #tpu.memory_space<vmem>>, vector<1x16xf32>,
        %get3A_121 = vector.shape_cast %get3A_120 : vector<1x16xf32> to vector<16xf32>
        %add3A_122 = arith.addf %mul3A_117, %get3A_121 : vector<16xf32>
        %swap3A_123 = arith.index_cast %scan3A_95 : i32 to index
        %swap3A_124 = arith.constant 16 : index
        %swap3A_125 = tpu.vector_load %arg9[%swap3A_123, %swap3A_124] {strides = array<i32>} : memref<200x64xf32, #tpu.memory_space<vmem>>, vector<1x16xf32>,
        %swap3A_126 = vector.shape_cast %swap3A_125 : vector<1x16xf32> to vector<16xf32>
        %swap3A_127 = vector.shape_cast %add3A_122 : vector<16xf32> to vector<1x16xf32>
        tpu.vector_store %arg9[%swap3A_123, %swap3A_124], %swap3A_127 {strides = array<i32>} : memref<200x64xf32, #tpu.memory_space<vmem>>, vector<1x16xf32>,
        %get3A_128 = arith.index_cast %scan3A_95 : i32 to index
        %get3A_129 = arith.constant 32 : index
        %get3A_130 = tpu.vector_load %arg8[%get3A_128, %get3A_129] {strides = array<i32>} : memref<200x64xf32, #tpu.memory_space<vmem>>, vector<1x16xf32>,
        %get3A_131 = vector.shape_cast %get3A_130 : vector<1x16xf32> to vector<16xf32>
        %mul3A_132 = arith.constant 3.125000e-02 : f32
        %mul3A_133 = vector.broadcast %mul3A_132 : f32 to vector<16xf32>
        %mul3A_134 = arith.mulf %get3A_131, %mul3A_133 : vector<16xf32>
        %get3A_135 = arith.index_cast %scan3A_95 : i32 to index
        %get3A_136 = arith.constant 32 : index
        %get3A_137 = tpu.vector_load %arg10[%get3A_135, %get3A_136] {strides = array<i32>} : memref<200x64xf32, #tpu.memory_space<vmem>>, vector<1x16xf32>,
        %get3A_138 = vector.shape_cast %get3A_137 : vector<1x16xf32> to vector<16xf32>
        %add3A_139 = arith.addf %mul3A_134, %get3A_138 : vector<16xf32>
        %swap3A_140 = arith.index_cast %scan3A_95 : i32 to index
        %swap3A_141 = arith.constant 32 : index
        %swap3A_142 = tpu.vector_load %arg9[%swap3A_140, %swap3A_141] {strides = array<i32>} : memref<200x64xf32, #tpu.memory_space<vmem>>, vector<1x16xf32>,
        %swap3A_143 = vector.shape_cast %swap3A_142 : vector<1x16xf32> to vector<16xf32>
        %swap3A_144 = vector.shape_cast %add3A_139 : vector<16xf32> to vector<1x16xf32>
        tpu.vector_store %arg9[%swap3A_140, %swap3A_141], %swap3A_144 {strides = array<i32>} : memref<200x64xf32, #tpu.memory_space<vmem>>, vector<1x16xf32>,
        %get3A_145 = arith.index_cast %scan3A_95 : i32 to index
        %get3A_146 = arith.constant 48 : index
        %get3A_147 = tpu.vector_load %arg8[%get3A_145, %get3A_146] {strides = array<i32>} : memref<200x64xf32, #tpu.memory_space<vmem>>, vector<1x16xf32>,
        %get3A_148 = vector.shape_cast %get3A_147 : vector<1x16xf32> to vector<16xf32>
        %mul3A_149 = arith.constant 3.125000e-02 : f32
        %mul3A_150 = vector.broadcast %mul3A_149 : f32 to vector<16xf32>
        %mul3A_151 = arith.mulf %get3A_148, %mul3A_150 : vector<16xf32>
        %get3A_152 = arith.index_cast %scan3A_95 : i32 to index
        %get3A_153 = arith.constant 48 : index
        %get3A_154 = tpu.vector_load %arg10[%get3A_152, %get3A_153] {strides = array<i32>} : memref<200x64xf32, #tpu.memory_space<vmem>>, vector<1x16xf32>,
        %get3A_155 = vector.shape_cast %get3A_154 : vector<1x16xf32> to vector<16xf32>
        %add3A_156 = arith.addf %mul3A_151, %get3A_155 : vector<16xf32>
        %swap3A_157 = arith.index_cast %scan3A_95 : i32 to index
        %swap3A_158 = arith.constant 48 : index
        %swap3A_159 = tpu.vector_load %arg9[%swap3A_157, %swap3A_158] {strides = array<i32>} : memref<200x64xf32, #tpu.memory_space<vmem>>, vector<1x16xf32>,
        %swap3A_160 = vector.shape_cast %swap3A_159 : vector<1x16xf32> to vector<16xf32>
        %swap3A_161 = vector.shape_cast %add3A_156 : vector<16xf32> to vector<1x16xf32>
        tpu.vector_store %arg9[%swap3A_157, %swap3A_158], %swap3A_161 {strides = array<i32>} : memref<200x64xf32, #tpu.memory_space<vmem>>, vector<1x16xf32>,
        %scan3A_162 = arith.constant 1 : i32
        %scan3A_163 = arith.addi %scan3A_95, %scan3A_162 : i32
        %get3A_164 = arith.index_cast %scan3A_163 : i32 to index
        %get3A_165 = arith.constant 0 : index
        %get3A_166 = tpu.vector_load %arg8[%get3A_164, %get3A_165] {strides = array<i32>} : memref<200x64xf32, #tpu.memory_space<vmem>>, vector<1x16xf32>,
        %get3A_167 = vector.shape_cast %get3A_166 : vector<1x16xf32> to vector<16xf32>
        %mul3A_168 = arith.constant 3.125000e-02 : f32
        %mul3A_169 = vector.broadcast %mul3A_168 : f32 to vector<16xf32>
        %mul3A_170 = arith.mulf %get3A_167, %mul3A_169 : vector<16xf32>
        %get3A_171 = arith.index_cast %scan3A_163 : i32 to index
        %get3A_172 = arith.constant 0 : index
        %get3A_173 = tpu.vector_load %arg10[%get3A_171, %get3A_172] {strides = array<i32>} : memref<200x64xf32, #tpu.memory_space<vmem>>, vector<1x16xf32>,
        %get3A_174 = vector.shape_cast %get3A_173 : vector<1x16xf32> to vector<16xf32>
        %add3A_175 = arith.addf %mul3A_170, %get3A_174 : vector<16xf32>
        %swap3A_176 = arith.index_cast %scan3A_163 : i32 to index
        %swap3A_177 = arith.constant 0 : index
        %swap3A_178 = tpu.vector_load %arg9[%swap3A_176, %swap3A_177] {strides = array<i32>} : memref<200x64xf32, #tpu.memory_space<vmem>>, vector<1x16xf32>,
        %swap3A_179 = vector.shape_cast %swap3A_178 : vector<1x16xf32> to vector<16xf32>
        %swap3A_180 = vector.shape_cast %add3A_175 : vector<16xf32> to vector<1x16xf32>
        tpu.vector_store %arg9[%swap3A_176, %swap3A_177], %swap3A_180 {strides = array<i32>} : memref<200x64xf32, #tpu.memory_space<vmem>>, vector<1x16xf32>,
        %get3A_181 = arith.index_cast %scan3A_163 : i32 to index
        %get3A_182 = arith.constant 16 : index
        %get3A_183 = tpu.vector_load %arg8[%get3A_181, %get3A_182] {strides = array<i32>} : memref<200x64xf32, #tpu.memory_space<vmem>>, vector<1x16xf32>,
        %get3A_184 = vector.shape_cast %get3A_183 : vector<1x16xf32> to vector<16xf32>
        %mul3A_185 = arith.constant 3.125000e-02 : f32
        %mul3A_186 = vector.broadcast %mul3A_185 : f32 to vector<16xf32>
        %mul3A_187 = arith.mulf %get3A_184, %mul3A_186 : vector<16xf32>
        %get3A_188 = arith.index_cast %scan3A_163 : i32 to index
        %get3A_189 = arith.constant 16 : index
        %get3A_190 = tpu.vector_load %arg10[%get3A_188, %get3A_189] {strides = array<i32>} : memref<200x64xf32, #tpu.memory_space<vmem>>, vector<1x16xf32>,
        %get3A_191 = vector.shape_cast %get3A_190 : vector<1x16xf32> to vector<16xf32>
        %add3A_192 = arith.addf %mul3A_187, %get3A_191 : vector<16xf32>
        %swap3A_193 = arith.index_cast %scan3A_163 : i32 to index
        %swap3A_194 = arith.constant 16 : index
        %swap3A_195 = tpu.vector_load %arg9[%swap3A_193, %swap3A_194] {strides = array<i32>} : memref<200x64xf32, #tpu.memory_space<vmem>>, vector<1x16xf32>,
        %swap3A_196 = vector.shape_cast %swap3A_195 : vector<1x16xf32> to vector<16xf32>
        %swap3A_197 = vector.shape_cast %add3A_192 : vector<16xf32> to vector<1x16xf32>
        tpu.vector_store %arg9[%swap3A_193, %swap3A_194], %swap3A_197 {strides = array<i32>} : memref<200x64xf32, #tpu.memory_space<vmem>>, vector<1x16xf32>,
        %get3A_198 = arith.index_cast %scan3A_163 : i32 to index
        %get3A_199 = arith.constant 32 : index
        %get3A_200 = tpu.vector_load %arg8[%get3A_198, %get3A_199] {strides = array<i32>} : memref<200x64xf32, #tpu.memory_space<vmem>>, vector<1x16xf32>,
        %get3A_201 = vector.shape_cast %get3A_200 : vector<1x16xf32> to vector<16xf32>
        %mul3A_202 = arith.constant 3.125000e-02 : f32
        %mul3A_203 = vector.broadcast %mul3A_202 : f32 to vector<16xf32>
        %mul3A_204 = arith.mulf %get3A_201, %mul3A_203 : vector<16xf32>
        %get3A_205 = arith.index_cast %scan3A_163 : i32 to index
        %get3A_206 = arith.constant 32 : index
        %get3A_207 = tpu.vector_load %arg10[%get3A_205, %get3A_206] {strides = array<i32>} : memref<200x64xf32, #tpu.memory_space<vmem>>, vector<1x16xf32>,
        %get3A_208 = vector.shape_cast %get3A_207 : vector<1x16xf32> to vector<16xf32>
        %add3A_209 = arith.addf %mul3A_204, %get3A_208 : vector<16xf32>
        %swap3A_210 = arith.index_cast %scan3A_163 : i32 to index
        %swap3A_211 = arith.constant 32 : index
        %swap3A_212 = tpu.vector_load %arg9[%swap3A_210, %swap3A_211] {strides = array<i32>} : memref<200x64xf32, #tpu.memory_space<vmem>>, vector<1x16xf32>,
        %swap3A_213 = vector.shape_cast %swap3A_212 : vector<1x16xf32> to vector<16xf32>
        %swap3A_214 = vector.shape_cast %add3A_209 : vector<16xf32> to vector<1x16xf32>
        tpu.vector_store %arg9[%swap3A_210, %swap3A_211], %swap3A_214 {strides = array<i32>} : memref<200x64xf32, #tpu.memory_space<vmem>>, vector<1x16xf32>,
        %get3A_215 = arith.index_cast %scan3A_163 : i32 to index
        %get3A_216 = arith.constant 48 : index
        %get3A_217 = tpu.vector_load %arg8[%get3A_215, %get3A_216] {strides = array<i32>} : memref<200x64xf32, #tpu.memory_space<vmem>>, vector<1x16xf32>,
        %get3A_218 = vector.shape_cast %get3A_217 : vector<1x16xf32> to vector<16xf32>
        %mul3A_219 = arith.constant 3.125000e-02 : f32
        %mul3A_220 = vector.broadcast %mul3A_219 : f32 to vector<16xf32>
        %mul3A_221 = arith.mulf %get3A_218, %mul3A_220 : vector<16xf32>
        %get3A_222 = arith.index_cast %scan3A_163 : i32 to index
        %get3A_223 = arith.constant 48 : index
        %get3A_224 = tpu.vector_load %arg10[%get3A_222, %get3A_223] {strides = array<i32>} : memref<200x64xf32, #tpu.memory_space<vmem>>, vector<1x16xf32>,
        %get3A_225 = vector.shape_cast %get3A_224 : vector<1x16xf32> to vector<16xf32>
        %add3A_226 = arith.addf %mul3A_221, %get3A_225 : vector<16xf32>
        %swap3A_227 = arith.index_cast %scan3A_163 : i32 to index
        %swap3A_228 = arith.constant 48 : index
        %swap3A_229 = tpu.vector_load %arg9[%swap3A_227, %swap3A_228] {strides = array<i32>} : memref<200x64xf32, #tpu.memory_space<vmem>>, vector<1x16xf32>,
        %swap3A_230 = vector.shape_cast %swap3A_229 : vector<1x16xf32> to vector<16xf32>
        %swap3A_231 = vector.shape_cast %add3A_226 : vector<16xf32> to vector<1x16xf32>
        tpu.vector_store %arg9[%swap3A_227, %swap3A_228], %swap3A_231 {strides = array<i32>} : memref<200x64xf32, #tpu.memory_space<vmem>>, vector<1x16xf32>,
      }
      %scan3A_91 = arith.constant 200 : i32
      %add3A_92 = arith.addi %mul3A_2, %add3A_77 : i32
      %mul3A_93 = arith.constant 200 : i32
      %mul3A_94 = arith.muli %add3A_92, %mul3A_93 : i32
      "tpu.region"() ({
        %run_scoped3A = tpu.sem_alloc : memref<!tpu.dma_semaphore, #tpu.memory_space<semaphore_mem>>
        %dma_start3A_95 = arith.constant 0 : i32
        %dma_start3A_96 = tpu.memref_slice %arg5[%mul3A_94, %dma_start3A_95] : memref<204800x64xf32, #tpu.memory_space<hbm>> -> memref<200x64xf32, #tpu.memory_space<hbm>>
        %dma_start3A_97 = arith.constant 0 : i32
        %dma_start3A_98 = tpu.memref_slice %arg5[%mul3A_94, %dma_start3A_97] : memref<204800x64xf32, #tpu.memory_space<hbm>> -> memref<200x64xf32, #tpu.memory_space<hbm>>
        tpu.enqueue_dma source(%arg9 : memref<200x64xf32, #tpu.memory_space<vmem>>) target(%dma_start3A_98 : memref<200x64xf32, #tpu.memory_space<hbm>>) target_semaphore(%run_scoped3A : memref<!tpu.dma_semaphore, #tpu.memory_space<semaphore_mem>>)
        %dma_wait3A_99 = arith.constant 0 : i32
        %dma_wait3A_100 = tpu.memref_slice %arg5[%mul3A_94, %dma_wait3A_99] : memref<204800x64xf32, #tpu.memory_space<hbm>> -> memref<200x64xf32, #tpu.memory_space<hbm>>
        %dma_wait3A_101 = arith.constant 0 : i32
        %dma_wait3A_102 = tpu.memref_slice %arg5[%mul3A_94, %dma_wait3A_101] : memref<204800x64xf32, #tpu.memory_space<hbm>> -> memref<200x64xf32, #tpu.memory_space<hbm>>
        tpu.wait_dma2 semaphore(%run_scoped3A : memref<!tpu.dma_semaphore, #tpu.memory_space<semaphore_mem>>) src(%arg9 : memref<200x64xf32, #tpu.memory_space<vmem>>) dst(%dma_wait3A_102 : memref<200x64xf32, #tpu.memory_space<hbm>>)
        tpu.yield
      }) : () -> ()
    }
    %scan3A_30 = arith.constant 16 : i32
    return
  }
}

</mosaic_0001>

<sc_bundles>
// kernel: _sc_gather_pe.3.cloned.1.call-start
scs
__scs_entry_jumppad:
0x0: {  	(pc) =	sbr.rel $0x88, $3  }
0x1: {  	(tag) =	ssettag $0x0;
	lr =	simm.s32 $0x1  }
0x2: {  	[smem:$0x3F9E] =	sst lr;
	_ =	strace $0xD0000000  }
0x3: {  	_ = 	snop  }
0x4: {  	_ = 	snop  }
0x5: {  	_ = 	snop  }
0x6: {  	_ = 	snop  }
0x7: {  	_ = 	snop  }
__scs_overlays_trampoline_lowered:
0x8: {  	[smem:$0x3FAD] =	sst s0  }
0x9: {  	[smem:$0x3FAE] =	sst s1  }
0xa: {  	[smem:$0x3FAF] =	sst s2  }
0xb: {  	[smem:$0x3FB0] =	sst s3  }
0xc: {  	[smem:$0x3FB1] =	sst s4  }
0xd: {  	[smem:$0x3FB2] =	sst s5  }
0xe: {  	[smem:$0x3FB3] =	sst s6  }
0xf: {  	[smem:$0x3FB4] =	sst s7  }
0x10: {  	[smem:$0x3FB5] =	sst s8  }
0x11: {  	[smem:$0x3FB6] =	sst s9;
	s0 =	simm.s32 @!p0 $0x0  }
0x12: {  	s1 =	sld [smem:$0x3F9C];
	s0 =	simm.s32 @p0 $0x1  }
0x13: {  	[smem:$0x3FB7] =	sst s0;
	s0 =	simm.s32 @!p1 $0x0  }
0x14: {  	s2 =	sld [smem:$0x3F9B];
	s0 =	simm.s32 @p1 $0x1  }
0x15: {  	[smem:$0x3FB8] =	sst s0;
	s0 =	simm.s32 @!p2 $0x0  }
0x16: {  	s3 =	sld [smem:$0x3FDB];
	s0 =	simm.s32 @p2 $0x1  }
0x17: {  	s4 =	simm.s32 $0x1BF5;
	[smem:$0x3FBA] =	sst s0  }
0x18: {  	s0 =	sld [smem:$0x3F9D];
	_ =	swait.ge [sflag:s4], $0x0  }
0x19: {  	s7 =	sld [smem:$0x3F9E]  }
0x1a: {  	s8 =	sadd.s32 $0xFFFFE003, lr  }
0x1b: {  	s9 =	sadd.s32 $0xFFFFFEF7, lr;
	s5 =	simm.s32 $0xFFFFFFFF;
	p2 =	slt.u32 s8, $0xFFFFF086  }
0x1c: {  	p1 =	slt.u32 s9, $0xF7A;
	s5 =	simm.s32 @!p2 $0x0  }
0x1d: {  	s5 =	simm.s32 @p1 $0x1;
	p0 =	seq.s32 s7, s2  }
0x1e: {  	s7 =	smul.u32 @!p0 $0xF7A, s2;
	p2 =	seq.s32 @!p0 s5, $0x0  }
0x1f: {  	s9 =	smul.u32 $0xF7A, s1;
	s8 =	simm.s32 @!p0 $0x1BF5;
	p2 =	por !p2, p0  }
0x20: {  	[sflag:s8] =	ssyncset.s32 @!p0 $0xFFFFF086;
	s6 =	sadd.s32 @!p0 s3, s7;
	s7 =	simm.s32 @!p0 $0x108  }
0x21: {  	s3 =	sadd.s32 s3, s9;
	s6 =	sadd.s32 @!p0 $0x88, s6;
	s7 =	simm.s32 @p2 $0x1082  }
0x22: {  	[simem:s7], [sflag:s8] =	dma.local @!p0 [hbm:s6], $0xF7A  }
0x23: {  	s9 =	sor.u32 $0xD0000000, s2;
	s6 =	simm.s32 $0x108;
	_ =	swait.ge @!p0 [sflag:s8], $0x0  }
0x24: {  	s3 =	sadd.s32 $0x88, s3;
	s6 =	simm.s32 @!p1 $0x1082;
	[sflag:s4] =	ssyncset.s32 $0xFFFFF086  }
0x25: {  	[simem:s6], [sflag:s4] =	dma.local [hbm:s3], $0xF7A  }
0x26: {  	[smem:$0x3F9E] =	sst s1;
	(tag) =	ssettag s2;
	_ =	strace s9  }
0x27: {  	s1 =	sld [smem:$0x3FAE]  }
0x28: {  	s2 =	sld [smem:$0x3FAF]  }
0x29: {  	s4 =	sld [smem:$0x3FB1]  }
0x2a: {  	p0 =	seq.s32 s5, $0x0;
	s5 =	sld [smem:$0x3FB2]  }
0x2b: {  	s6 =	sld [smem:$0x3FB3]  }
0x2c: {  	s7 =	sld [smem:$0x3FB4]  }
0x2d: {  	s3 =	simm.s32 $0x108;
	s8 =	sld [smem:$0x3FB5]  }
0x2e: {  	s3 =	simm.s32 @!p0 $0x1082;
	s9 =	sld [smem:$0x3FB6]  }
0x2f: {  	lr =	sadd.s32 s0, s3;
	s0 =	sld [smem:$0x3FAD]  }
0x30: {  	s3 =	sld [smem:$0x3FB0]  }
0x31: {  	[smem:$0x3FB9] =	sst s10  }
0x32: {  	s10 =	sld [smem:$0x3FB7];
	_ =	sdelay $0x3  }
0x33: {  	p0 =	seq.s32 s10, $0x1;
	s10 =	sld [smem:$0x3FB9];
	_ =	sdelay $0x3  }
0x34: {  	[smem:$0x3FB9] =	sst s10  }
0x35: {  	s10 =	sld [smem:$0x3FB8];
	_ =	sdelay $0x3  }
0x36: {  	p1 =	seq.s32 s10, $0x1;
	s10 =	sld [smem:$0x3FB9];
	_ =	sdelay $0x3  }
0x37: {  	[smem:$0x3FB9] =	sst s10  }
0x38: {  	s10 =	sld [smem:$0x3FBA]  }
0x39: {  	_ = 	snop;
	(pc) =	sbr.ind lr, $3  }
0x3a: {  	_ = 	snop  }
0x3b: {  	_ = 	snop  }
0x3c: {  	p2 =	seq.s32 s10, $0x1;
	s10 =	sld [smem:$0x3FB9]  }
0x3d: {  	_ =	shalt  }
0x3e: {  	_ =	shalt  }
0x3f: {  	_ =	shalt  }
0x40: {  	_ =	shalt  }
0x41: {  	_ =	shalt  }
0x42: {  	_ =	shalt  }
0x43: {  	_ =	shalt  }
0x44: {  	_ =	shalt  }
0x45: {  	_ =	shalt  }
0x46: {  	_ =	shalt  }
0x47: {  	_ =	shalt  }
0x48: {  	_ =	shalt  }
0x49: {  	_ =	shalt  }
0x4a: {  	_ =	shalt  }
0x4b: {  	_ =	shalt  }
0x4c: {  	_ =	shalt  }
0x4d: {  	_ =	shalt  }
0x4e: {  	_ =	shalt  }
0x4f: {  	_ =	shalt  }
0x50: {  	_ =	shalt  }
0x51: {  	_ =	shalt  }
0x52: {  	_ =	shalt  }
0x53: {  	_ =	shalt  }
0x54: {  	_ =	shalt  }
0x55: {  	_ =	shalt  }
0x56: {  	_ =	shalt  }
0x57: {  	_ =	shalt  }
0x58: {  	_ =	shalt  }
0x59: {  	_ =	shalt  }
0x5a: {  	_ =	shalt  }
0x5b: {  	_ =	shalt  }
0x5c: {  	_ =	shalt  }
0x5d: {  	_ =	shalt  }
0x5e: {  	_ =	shalt  }
0x5f: {  	_ =	shalt  }
0x60: {  	_ =	shalt  }
0x61: {  	_ =	shalt  }
0x62: {  	_ =	shalt  }
0x63: {  	_ =	shalt  }
0x64: {  	_ =	shalt  }
0x65: {  	_ =	shalt  }
0x66: {  	_ =	shalt  }
0x67: {  	_ =	shalt  }
0x68: {  	_ =	shalt  }
0x69: {  	_ =	shalt  }
0x6a: {  	_ =	shalt  }
0x6b: {  	_ =	shalt  }
0x6c: {  	_ =	shalt  }
0x6d: {  	_ =	shalt  }
0x6e: {  	_ =	shalt  }
0x6f: {  	_ =	shalt  }
0x70: {  	_ =	shalt  }
0x71: {  	_ =	shalt  }
0x72: {  	_ =	shalt  }
0x73: {  	_ =	shalt  }
0x74: {  	_ =	shalt  }
0x75: {  	_ =	shalt  }
0x76: {  	_ =	shalt  }
0x77: {  	_ =	shalt  }
0x78: {  	_ =	shalt  }
0x79: {  	_ =	shalt  }
0x7a: {  	_ =	shalt  }
0x7b: {  	_ =	shalt  }
0x7c: {  	_ =	shalt  }
0x7d: {  	_ =	shalt  }
0x7e: {  	_ =	shalt  }
0x7f: {  	_ =	shalt  }
0x80: {  	_ =	shalt  }
0x81: {  	_ =	shalt  }
0x82: {  	_ =	shalt  }
0x83: {  	_ =	shalt  }
0x84: {  	_ =	shalt  }
0x85: {  	_ =	shalt  }
0x86: {  	_ =	shalt  }
0x87: {  	_ =	shalt  }
.Lfunc_end0:
.L_simem_size_0:
called_computation.1_lowered:
.L_overlay_start_0:
0x88: {  	s2 =	sld [smem:$0x3FD9]  }
0x89: {  	s3 =	sld [smem:$0x3FFE];
	_ =	sdelay $0x1  }
0x8a: {  	s1 =	srdreg.scid  }
0x8b: {  	s0 =	sand.u32 $0x1, s1  }
0x8c: {  	s17 =	sshll.u32 s0, $0xA;
	s2 =	sadd.s32 s3, s2  }
0x8d: {  	s2 =	sadd.s32 s2, s17  }
0x8e: {  	[smem:$0x3FC5] =	sst s2  }
0x8f: {  	_ = 	snop  }
0x90: {  	s2 =	sld [smem:$0x3FD0];
	(tm) =	ssettm $0x1  }
0x91: {  	s18 =	sld [smem:$0x3FFB];
	_ =	sdelay $0x3  }
0x92: {  	_ =	strace s18  }
0x93: {  	s3 =	sld [smem:$0x3FFC];
	_ =	sdelay $0x3  }
0x94: {  	_ =	strace s3  }
0x95: {  	s3 =	sld [smem:$0x3FFD];
	_ =	sdelay $0x3  }
0x96: {  	_ =	strace s3  }
0x97: {  	_ =	strace $0x8FFFFFFF  }
0x98: {  	s19 =	sld [smem:$0x3FDB];
	_ =	sdelay $0x1  }
0x99: {  	s4 =	simm.s32 $_scs_section_size  }
0x9a: {  	s5 =	simm.s32 $_size__tile_overlayer_lowered;
	s6 =	simm.s32 $_tile_overlayer_lowered  }
0x9b: {  	s22 =	simm.s32 $0x1BFF;
	s21 =	sshll.u32 s6, $0x1;
	s3 =	sadd.s32 s4, s19  }
0x9c: {  	s7 =	simm.s32 $0x0;
	s20 =	sshll.u32 s5, $0x1;
	s5 =	sadd.s32 s21, s3  }
0x9d: {  	[timem:s7], [sflag:s22] =	dma.local [hbm:s5], s20  }
0x9e: {  	_ =	swait.ge [sflag:s22], s20  }
0x9f: {  	s4 =	ssub.s32 $0x0, s20;
	[sflag:s22] =	ssyncset.done $0x0  }
0xa0: {  	[sflag:s22] =	ssyncadd.s32 s4;
	_ =	sdelay $0x1  }
0xa1: {  	s23 =	simm.s32 $0x1B8B  }
0xa2: {  	_ =	swait.ge [sflag:s23], $0x1  }
0xa3: {  	[sflag:s23] =	ssyncset.done $0x0  }
0xa4: {  	s25 =	simm.s32 $0x1B8E;
	s24 =	sld [smem:$0x3FFE];
	[sflag:s23] =	ssyncadd.s32 $0xFFFFFFFF  }
0xa5: {  	s26 =	simm.s32 $execute0_lowered;
	[smem:$0x3FD2] =	sst s25  }
0xa6: {  	s5 =	sshll.u32 s26, $0x1;
	_ =	strace $0x80000046;
	[dreg:$0x1] =	wrdreg $0xFFFFFFFF  }
0xa7: {  	s28 =	simm.s32 $_size_execute0_lowered;
	s3 =	sadd.s32 s3, s5;
	[dreg:$0x0] =	wrdreg $0x0  }
0xa8: {  	s5 =	sshll.u32 s28, $0x1;
	[dreg:$0x2] =	wrdreg s3  }
0xa9: {  	[dreg:$0x3] =	wrdreg s5  }
0xaa: {  	[dreg:$0x4] =	wrdreg $0xC0  }
0xab: {  	_ =	task [dreg:s7], $0x5FFFF  }
0xac: {  	[dreg:$0x1] =	wrdreg $0xFFFFFFFF  }
0xad: {  	[dreg:$0x0] =	wrdreg $0x60  }
0xae: {  	[dreg:$0x2] =	wrdreg s24  }
0xaf: {  	[dreg:$0x3] =	wrdreg s2  }
0xb0: {  	[dreg:$0x4] =	wrdreg $0x9  }
0xb1: {  	_ =	task.clear_ibuf [dreg:s7], $0x5FFFF;
	_ =	strace $0x90000046  }
0xb2: {  	s29 =	simm.s32 $0x9;
	_ =	strace $0x80000048  }
0xb3: {  	_ =	swait.ge [sflag:s29], $0x1  }
0xb4: {  	[sflag:s29] =	ssyncadd.s32 $0xFFFFFFFF  }
0xb5: {  	_ =	strace $0x90000048  }
0xb6: {  	_ =	sfence  }
0xb7: {  	s30 =	sld [smem:$0x0];
	_ =	sdelay $0x2  }
0xb8: {  	s31 =	sshll.u32 s1, $0xD;
	s1 =	sshrl.u32 s1, $0x2  }
0xb9: {  	s3 =	sand.u32 $0x4000, s31;
	s1 =	sadd.s32 s1, s30  }
0xba: {  	s0 =	sor.u32 s3, s0;
	s1 =	sshll.u32 s1, $0x11  }
0xbb: {  	s0 =	sor.u32 s1, s0  }
0xbc: {  	s0 =	sadd.s32 $0x8F2B, s0  }
0xbd: {  	[sflag:s0] =	ssyncadd.remote.s32 $0x1  }
0xbe: {  	_ =	sfence.sel $0xFFFF  }
0xbf: {  	[dreg:$0x0] =	wrdreg $0xFFFFFFFF;
	(pc) =	sbr.abs _section_cstart, $3  }
0xc0: {  	[dreg:$0x1] =	wrdreg $0xFFFFFFFF  }
0xc1: {  	_ =	task.clear_ibuf [dreg:s7], $0x2FFFF;
	_ =	strace $0x9FFFFFFF  }
0xc2: {  	(tm) =	ssettm $0x7FFFFFFF  }
0xc3: {  	_ =	shalt  }
tec
execute0_lowered:
.L_overlay_start_1:
0x0: {  	(tag) =	ssettag $0x1  }
0x1: {  	s5 =	rddreg [dreg:$0x0];
	s1 =	srdreg.scid  }
0x2: {  	s0 =	stileid.u32;
	s2 =	rddreg [dreg:$0x1];
	s3 =	simm.s32 $0x0  }
0x3: {  	s10 =	simm.s32 $0xB000;
	s11 =	simm.s32 $0x64;
	s12 =	simm.s32 $0x1A00  }
0x4: {  	s13 =	simm.s32 $0x68;
	s14 =	simm.s32 $0x3300;
	s15 =	simm.s32 $0x1  }
0x5: {  	s16 =	simm.s32 $0x4C00;
	s17 =	simm.s32 $0x6500;
	s18 =	simm.s32 $0x7E00  }
0x6: {  	s19 =	simm.s32 $0x0;
	s6 =	sand.u32 $0x1, s1;
	s4 =	sshll.u32 s0, $0x1  }
0x7: {  	s1 =	rddreg [dreg:$0x2];
	s7 =	sor.u32 s6, s4;
	s6 =	ssub.s32 $0x2, s6  }
0x8: {  	[smem:$0x7FF] =	sst s3;
	s8 =	smul.u32 $0x340, s7;
	s9 =	sshrl.u32 s6, $0x1  }
0x9: {  	_ =	strace $0x80000047;
	s4 =	sadd.s32 $0xF43000, s5;
	s9 =	ssub.s32 s6, s9  }
0xa: {  	s6 =	sshll.u32 s7, $0x5;
	s8 =	sadd.s32 s8, s5;
	s5 =	sadd.s32 $0x7400, s5  }
0xb: {  	s7 =	sadd.s32 $0xC00, s8;
	s8 =	smax.u32 s9, $0x1;
	s9 =	simm.s32 $0x2  }
.LBB2_1:
0xc: {  	[tilespmem:s3], [sflag:$0x2] =	stream.linear.gather [hbm4b:s7+s3], $0x1A00, $0x38;
	[tilespmem:$0xE200] =	vst v63  }
0xd: {  	_ =	swait.ge [sflag:s9], $0x1A00  }
0xe: {  	[sflag:s9] =	ssyncset.done $0x0  }
0xf: {  	[sflag:s9] =	ssyncadd.s32 $0xFFFFE600  }
0x10: {  	[tilespmem:s10], [sflag:$0x2] =	stream.linear.gather [hbm4b:s5+s3], $0x3200, $0x38;
	[tilespmem:$0xE200] =	vst v63  }
0x11: {  	_ =	swait.ge [sflag:s9], $0x3200  }
0x12: {  	[sflag:s9] =	ssyncset.done $0x0  }
0x13: {  	[sflag:s9] =	ssyncadd.s32 $0xFFFFCE00  }
0x14: {  	[tilespmem:s12], [sflag:$0x1] =	stream.indirect.gather [hbm4b:s4+s11], $0x40, s3, s11, $0xb8;
	[tilespmem:$0xE200] =	vst v63  }
0x15: {  	s20 =	simm.s32 $0x0  }
0x16: {  	[tilespmem:s14], [sflag:$0x1] =	stream.indirect.gather [hbm4b:s4+s11], $0x40, s13, s11, $0xb8;
	[tilespmem:$0xE200] =	vst v63  }
.LBB2_2:
0x17: {  	s21 =	sshllo.u32 s20, $0x1  }
0x18: {  	_ =	swait.ge [sflag:s15], $0x3200;
	s22 =	smul.u32 $0x340, s21  }
0x19: {  	[sflag:s15] =	ssyncset.done $0x0  }
0x1a: {  	[sflag:s15] =	ssyncadd.s32 $0xFFFFCE00;
	s22 =	sshra.s32 s22, $0x2  }
0x1b: {  	[tilespmem:s16], [sflag:$0x1] =	stream.indirect.gather [hbm4b:s4+s11], $0x40, s22, s11, $0xb8;
	[tilespmem:$0xE200] =	vst v63  }
0x1c: {  	s24 =	simm.s32 $0x1A40;
	s22 =	sadd.s32 $0x68, s22  }
0x1d: {  	[tilespmem:s17], [sflag:$0x1] =	stream.indirect.gather [hbm4b:s4+s11], $0x40, s22, s11, $0xb8;
	[tilespmem:$0xE200] =	vst v63  }
0x1e: {  	v0 =	vld [tilespmem:s24+$0xFFFFFFC0]  }
0x1f: {  	s22 =	simm.s32 $0xB040  }
0x20: {  	v1 =	vld [tilespmem:s22+$0xFFFFFFC0];
	_ =	sdelay $0x2  }
0x21: {  	v0 =	vmul.f32 $3.125000000e-02, v0;
	_ =	sdelay $0x1  }
0x22: {  	v0 =	vadd.f32 v1, v0  }
0x23: {  	s23 =	simm.s32 $0x7E40  }
0x24: {  	[tilespmem:s23+$0xFFFFFFC0] =	vst v0  }
0x25: {  	v0 =	vld [tilespmem:s24+$0xFFFFFFD0];
	_ =	sdelay $0x1  }
0x26: {  	v57 =	vld [tilespmem:s22+$0xFFFFFFD0];
	_ =	sdelay $0x2  }
0x27: {  	v0 =	vmul.f32 $3.125000000e-02, v0;
	_ =	sdelay $0x1  }
0x28: {  	v0 =	vadd.f32 v57, v0;
	_ =	sdelay $0x1  }
0x29: {  	[tilespmem:s23+$0xFFFFFFD0] =	vst v0  }
0x2a: {  	v0 =	vld [tilespmem:s24+$0xFFFFFFE0];
	_ =	sdelay $0x1  }
0x2b: {  	v58 =	vld [tilespmem:s22+$0xFFFFFFE0];
	_ =	sdelay $0x2  }
0x2c: {  	v0 =	vmul.f32 $3.125000000e-02, v0;
	_ =	sdelay $0x1  }
0x2d: {  	v0 =	vadd.f32 v58, v0;
	_ =	sdelay $0x1  }
0x2e: {  	[tilespmem:s23+$0xFFFFFFE0] =	vst v0  }
0x2f: {  	v0 =	vld [tilespmem:s24+$0xFFFFFFF0];
	_ =	sdelay $0x1  }
0x30: {  	v59 =	vld [tilespmem:s22+$0xFFFFFFF0];
	_ =	sdelay $0x2  }
0x31: {  	v0 =	vmul.f32 $3.125000000e-02, v0;
	_ =	sdelay $0x1  }
0x32: {  	v0 =	vadd.f32 v59, v0;
	_ =	sdelay $0x1  }
0x33: {  	[tilespmem:s23+$0xFFFFFFF0] =	vst v0  }
0x34: {  	v0 =	vld [tilespmem:s24+$0x0];
	_ =	sdelay $0x1  }
0x35: {  	v60 =	vld [tilespmem:s22+$0x0];
	_ =	sdelay $0x2  }
0x36: {  	v0 =	vmul.f32 $3.125000000e-02, v0;
	_ =	sdelay $0x1  }
0x37: {  	v0 =	vadd.f32 v60, v0;
	_ =	sdelay $0x1  }
0x38: {  	[tilespmem:s23+$0x0] =	vst v0  }
0x39: {  	v0 =	vld [tilespmem:s24+$0x10];
	_ =	sdelay $0x1  }
0x3a: {  	v61 =	vld [tilespmem:s22+$0x10];
	_ =	sdelay $0x2  }
0x3b: {  	v0 =	vmul.f32 $3.125000000e-02, v0;
	_ =	sdelay $0x1  }
0x3c: {  	v0 =	vadd.f32 v61, v0;
	_ =	sdelay $0x1  }
0x3d: {  	[tilespmem:s23+$0x10] =	vst v0  }
0x3e: {  	v0 =	vld [tilespmem:s24+$0x20];
	_ =	sdelay $0x1  }
0x3f: {  	v62 =	vld [tilespmem:s22+$0x20];
	_ =	sdelay $0x2  }
0x40: {  	v0 =	vmul.f32 $3.125000000e-02, v0;
	_ =	sdelay $0x1  }
0x41: {  	v0 =	vadd.f32 v62, v0;
	_ =	sdelay $0x1  }
0x42: {  	[tilespmem:s23+$0x20] =	vst v0  }
0x43: {  	v0 =	vld [tilespmem:s24+$0x30];
	_ =	sdelay $0x1  }
0x44: {  	v63 =	vld [tilespmem:s22+$0x30];
	_ =	sdelay $0x2  }
0x45: {  	v0 =	vmul.f32 $3.125000000e-02, v0;
	_ =	sdelay $0x1  }
0x46: {  	v0 =	vadd.f32 v63, v0;
	_ =	sdelay $0x1  }
0x47: {  	s25 =	simm.s32 $0x0;
	s26 =	simm.s32 $0x1AC0;
	s24 =	sshll.u32 s20, $0x1;
	[tilespmem:s23+$0x30] =	vst v0  }
.LBB2_3:
0x48: {  	v0 =	vld [tilespmem:s26+$0xFFFFFFC0];
	s25 =	sadd.s32 $0x2, s25;
	s22 =	sadd.s32 $0x80, s22  }
0x49: {  	v1 =	vld [tilespmem:s22+$0xFFFFFFC0];
	p0 =	slt.u32 s25, $0xC6;
	_ =	sdelay $0x3  }
0x4a: {  	v0 =	vmul.f32 $3.125000000e-02, v0;
	_ =	sdelay $0x1  }
0x4b: {  	v0 =	vadd.f32 v1, v0  }
0x4c: {  	s23 =	sadd.s32 $0x80, s23  }
0x4d: {  	[tilespmem:s23+$0xFFFFFFC0] =	vst v0  }
0x4e: {  	v0 =	vld [tilespmem:s26+$0xFFFFFFD0];
	_ =	sdelay $0x1  }
0x4f: {  	v1 =	vld [tilespmem:s22+$0xFFFFFFD0];
	_ =	sdelay $0x2  }
0x50: {  	v0 =	vmul.f32 $3.125000000e-02, v0;
	_ =	sdelay $0x1  }
0x51: {  	v0 =	vadd.f32 v1, v0;
	_ =	sdelay $0x1  }
0x52: {  	[tilespmem:s23+$0xFFFFFFD0] =	vst v0  }
0x53: {  	v0 =	vld [tilespmem:s26+$0xFFFFFFE0];
	_ =	sdelay $0x1  }
0x54: {  	v1 =	vld [tilespmem:s22+$0xFFFFFFE0];
	_ =	sdelay $0x2  }
0x55: {  	v0 =	vmul.f32 $3.125000000e-02, v0;
	_ =	sdelay $0x1  }
0x56: {  	v0 =	vadd.f32 v1, v0;
	_ =	sdelay $0x1  }
0x57: {  	[tilespmem:s23+$0xFFFFFFE0] =	vst v0  }
0x58: {  	v0 =	vld [tilespmem:s26+$0xFFFFFFF0];
	_ =	sdelay $0x1  }
0x59: {  	v1 =	vld [tilespmem:s22+$0xFFFFFFF0];
	_ =	sdelay $0x2  }
0x5a: {  	v0 =	vmul.f32 $3.125000000e-02, v0;
	_ =	sdelay $0x1  }
0x5b: {  	v0 =	vadd.f32 v1, v0;
	_ =	sdelay $0x1  }
0x5c: {  	[tilespmem:s23+$0xFFFFFFF0] =	vst v0  }
0x5d: {  	v0 =	vld [tilespmem:s26+$0x0];
	_ =	sdelay $0x1  }
0x5e: {  	v1 =	vld [tilespmem:s22+$0x0];
	_ =	sdelay $0x2  }
0x5f: {  	v0 =	vmul.f32 $3.125000000e-02, v0;
	_ =	sdelay $0x1  }
0x60: {  	v0 =	vadd.f32 v1, v0;
	_ =	sdelay $0x1  }
0x61: {  	[tilespmem:s23+$0x0] =	vst v0  }
0x62: {  	v0 =	vld [tilespmem:s26+$0x10];
	_ =	sdelay $0x1  }
0x63: {  	v1 =	vld [tilespmem:s22+$0x10];
	_ =	sdelay $0x2  }
0x64: {  	v0 =	vmul.f32 $3.125000000e-02, v0;
	_ =	sdelay $0x1  }
0x65: {  	v0 =	vadd.f32 v1, v0;
	_ =	sdelay $0x1  }
0x66: {  	[tilespmem:s23+$0x10] =	vst v0  }
0x67: {  	v0 =	vld [tilespmem:s26+$0x20]  }
0x68: {  	v1 =	vld [tilespmem:s22+$0x20];
	_ =	sdelay $0x3  }
0x69: {  	v0 =	vmul.f32 $3.125000000e-02, v0;
	_ =	sdelay $0x1  }
0x6a: {  	v0 =	vadd.f32 v1, v0;
	_ =	sdelay $0x1  }
0x6b: {  	[tilespmem:s23+$0x20] =	vst v0  }
0x6c: {  	v0 =	vld [tilespmem:s26+$0x30]  }
0x6d: {  	v1 =	vld [tilespmem:s22+$0x30];
	_ =	sdelay $0x3  }
.Ltmp0:
0x6e: {  	v0 =	vmul.f32 $3.125000000e-02, v0;
	(pc) =	sbr.rel @p0 .LBB2_3-.Ltmp0, $3  }
0x6f: {  	_ = 	snop  }
0x70: {  	v0 =	vadd.f32 v1, v0;
	_ =	sdelay $0x1  }
0x71: {  	s26 =	sadd.s32 $0x80, s26;
	[tilespmem:s23+$0x30] =	vst v0  }
0x72: {  	s22 =	sadd.s32 s6, s24  }
0x73: {  	s22 =	smul.u32 $0x640, s22;
	_ =	sdelay $0x1  }
0x74: {  	s22 =	sadd.s32 s2, s22  }
0x75: {  	[hbm4b:s22+s3] =	stream.linear.scatter [tilespmem:s18], [sflag:$0x2], $0x3200, $0x38;
	[tilespmem:$0xE200] =	vst v63  }
0x76: {  	_ =	swait.ge [sflag:s9], $0x3200  }
0x77: {  	p0 =	seq.s32 s20, $0xF;
	[sflag:s9] =	ssyncset.done $0x0  }
0x78: {  	s22 =	smul.u32 @!p0 $0x680, s20;
	[sflag:s9] =	ssyncadd.s32 $0xFFFFCE00  }
0x79: {  	_ =	swait.ge [sflag:s15], $0x3200  }
0x7a: {  	s24 =	simm.s32 @!p0 $0x64;
	s22 =	sshra.s32 @!p0 s22, $0x2;
	[sflag:s15] =	ssyncset.done $0x0  }
0x7b: {  	s25 =	simm.s32 @!p0 $0x1A00;
	s23 =	sadd.s32 @!p0 $0x1A0, s22;
	[sflag:s15] =	ssyncadd.s32 $0xFFFFCE00  }
0x7c: {  	[tilespmem:s25], [sflag:$0x1] =	stream.indirect.gather @!p0 [hbm4b:s4+s24], $0x40, s23, s24, $0xb8;
	[tilespmem:$0xE200] =	vst v63  }
0x7d: {  	s31 =	simm.s32 $0x4C40;
	s22 =	sadd.s32 @!p0 $0x208, s22;
	s23 =	simm.s32 @!p0 $0x3300  }
0x7e: {  	[tilespmem:s23], [sflag:$0x1] =	stream.indirect.gather @!p0 [hbm4b:s4+s24], $0x40, s22, s24, $0xb8;
	[tilespmem:$0xE200] =	vst v63  }
0x7f: {  	v0 =	vld [tilespmem:s31+$0xFFFFFFC0]  }
0x80: {  	s22 =	simm.s32 $0xB040  }
0x81: {  	v1 =	vld [tilespmem:s22+$0xFFFFFFC0];
	_ =	sdelay $0x2  }
0x82: {  	v0 =	vmul.f32 $3.125000000e-02, v0;
	_ =	sdelay $0x1  }
0x83: {  	v0 =	vadd.f32 v1, v0  }
0x84: {  	s23 =	simm.s32 $0x7E40  }
0x85: {  	[tilespmem:s23+$0xFFFFFFC0] =	vst v0  }
0x86: {  	v0 =	vld [tilespmem:s31+$0xFFFFFFD0];
	_ =	sdelay $0x1  }
0x87: {  	v57 =	vld [tilespmem:s22+$0xFFFFFFD0];
	_ =	sdelay $0x2  }
0x88: {  	v0 =	vmul.f32 $3.125000000e-02, v0;
	_ =	sdelay $0x1  }
0x89: {  	v0 =	vadd.f32 v57, v0;
	_ =	sdelay $0x1  }
0x8a: {  	[tilespmem:s23+$0xFFFFFFD0] =	vst v0  }
0x8b: {  	v0 =	vld [tilespmem:s31+$0xFFFFFFE0];
	_ =	sdelay $0x1  }
0x8c: {  	v58 =	vld [tilespmem:s22+$0xFFFFFFE0];
	_ =	sdelay $0x2  }
0x8d: {  	v0 =	vmul.f32 $3.125000000e-02, v0;
	_ =	sdelay $0x1  }
0x8e: {  	v0 =	vadd.f32 v58, v0;
	_ =	sdelay $0x1  }
0x8f: {  	[tilespmem:s23+$0xFFFFFFE0] =	vst v0  }
0x90: {  	v0 =	vld [tilespmem:s31+$0xFFFFFFF0];
	_ =	sdelay $0x1  }
0x91: {  	v59 =	vld [tilespmem:s22+$0xFFFFFFF0];
	_ =	sdelay $0x2  }
0x92: {  	v0 =	vmul.f32 $3.125000000e-02, v0;
	_ =	sdelay $0x1  }
0x93: {  	v0 =	vadd.f32 v59, v0;
	_ =	sdelay $0x1  }
0x94: {  	[tilespmem:s23+$0xFFFFFFF0] =	vst v0  }
0x95: {  	v0 =	vld [tilespmem:s31+$0x0];
	_ =	sdelay $0x1  }
0x96: {  	v60 =	vld [tilespmem:s22+$0x0];
	_ =	sdelay $0x2  }
0x97: {  	v0 =	vmul.f32 $3.125000000e-02, v0;
	_ =	sdelay $0x1  }
0x98: {  	v0 =	vadd.f32 v60, v0;
	_ =	sdelay $0x1  }
0x99: {  	[tilespmem:s23+$0x0] =	vst v0  }
0x9a: {  	v0 =	vld [tilespmem:s31+$0x10];
	_ =	sdelay $0x1  }
0x9b: {  	v61 =	vld [tilespmem:s22+$0x10];
	_ =	sdelay $0x2  }
0x9c: {  	v0 =	vmul.f32 $3.125000000e-02, v0;
	_ =	sdelay $0x1  }
0x9d: {  	v0 =	vadd.f32 v61, v0;
	_ =	sdelay $0x1  }
0x9e: {  	[tilespmem:s23+$0x10] =	vst v0  }
0x9f: {  	v0 =	vld [tilespmem:s31+$0x20];
	_ =	sdelay $0x1  }
0xa0: {  	v62 =	vld [tilespmem:s22+$0x20];
	_ =	sdelay $0x2  }
0xa1: {  	v0 =	vmul.f32 $3.125000000e-02, v0;
	_ =	sdelay $0x1  }
0xa2: {  	v0 =	vadd.f32 v62, v0;
	_ =	sdelay $0x1  }
0xa3: {  	[tilespmem:s23+$0x20] =	vst v0  }
0xa4: {  	v0 =	vld [tilespmem:s31+$0x30];
	_ =	sdelay $0x1  }
0xa5: {  	v63 =	vld [tilespmem:s22+$0x30];
	_ =	sdelay $0x2  }
0xa6: {  	v0 =	vmul.f32 $3.125000000e-02, v0;
	_ =	sdelay $0x1  }
0xa7: {  	v0 =	vadd.f32 v63, v0;
	_ =	sdelay $0x1  }
0xa8: {  	s25 =	simm.s32 $0x4CC0;
	s24 =	simm.s32 $0x0;
	[tilespmem:s23+$0x30] =	vst v0  }
.LBB2_5:
0xa9: {  	v0 =	vld [tilespmem:s25+$0xFFFFFFC0];
	s24 =	sadd.s32 $0x2, s24;
	s22 =	sadd.s32 $0x80, s22  }
0xaa: {  	v1 =	vld [tilespmem:s22+$0xFFFFFFC0];
	p0 =	slt.u32 s24, $0xC6;
	_ =	sdelay $0x3  }
0xab: {  	v0 =	vmul.f32 $3.125000000e-02, v0;
	_ =	sdelay $0x1  }
0xac: {  	v0 =	vadd.f32 v1, v0  }
0xad: {  	s23 =	sadd.s32 $0x80, s23  }
0xae: {  	[tilespmem:s23+$0xFFFFFFC0] =	vst v0  }
0xaf: {  	v0 =	vld [tilespmem:s25+$0xFFFFFFD0];
	_ =	sdelay $0x1  }
0xb0: {  	v1 =	vld [tilespmem:s22+$0xFFFFFFD0];
	_ =	sdelay $0x2  }
0xb1: {  	v0 =	vmul.f32 $3.125000000e-02, v0;
	_ =	sdelay $0x1  }
0xb2: {  	v0 =	vadd.f32 v1, v0;
	_ =	sdelay $0x1  }
0xb3: {  	[tilespmem:s23+$0xFFFFFFD0] =	vst v0  }
0xb4: {  	v0 =	vld [tilespmem:s25+$0xFFFFFFE0];
	_ =	sdelay $0x1  }
0xb5: {  	v1 =	vld [tilespmem:s22+$0xFFFFFFE0];
	_ =	sdelay $0x2  }
0xb6: {  	v0 =	vmul.f32 $3.125000000e-02, v0;
	_ =	sdelay $0x1  }
0xb7: {  	v0 =	vadd.f32 v1, v0;
	_ =	sdelay $0x1  }
0xb8: {  	[tilespmem:s23+$0xFFFFFFE0] =	vst v0  }
0xb9: {  	v0 =	vld [tilespmem:s25+$0xFFFFFFF0];
	_ =	sdelay $0x1  }
0xba: {  	v1 =	vld [tilespmem:s22+$0xFFFFFFF0];
	_ =	sdelay $0x2  }
0xbb: {  	v0 =	vmul.f32 $3.125000000e-02, v0;
	_ =	sdelay $0x1  }
0xbc: {  	v0 =	vadd.f32 v1, v0;
	_ =	sdelay $0x1  }
0xbd: {  	[tilespmem:s23+$0xFFFFFFF0] =	vst v0  }
0xbe: {  	v0 =	vld [tilespmem:s25+$0x0];
	_ =	sdelay $0x1  }
0xbf: {  	v1 =	vld [tilespmem:s22+$0x0];
	_ =	sdelay $0x2  }
0xc0: {  	v0 =	vmul.f32 $3.125000000e-02, v0;
	_ =	sdelay $0x1  }
0xc1: {  	v0 =	vadd.f32 v1, v0;
	_ =	sdelay $0x1  }
0xc2: {  	[tilespmem:s23+$0x0] =	vst v0  }
0xc3: {  	v0 =	vld [tilespmem:s25+$0x10];
	_ =	sdelay $0x1  }
0xc4: {  	v1 =	vld [tilespmem:s22+$0x10];
	_ =	sdelay $0x2  }
0xc5: {  	v0 =	vmul.f32 $3.125000000e-02, v0;
	_ =	sdelay $0x1  }
0xc6: {  	v0 =	vadd.f32 v1, v0;
	_ =	sdelay $0x1  }
0xc7: {  	[tilespmem:s23+$0x10] =	vst v0  }
0xc8: {  	v0 =	vld [tilespmem:s25+$0x20]  }
0xc9: {  	v1 =	vld [tilespmem:s22+$0x20];
	_ =	sdelay $0x3  }
0xca: {  	v0 =	vmul.f32 $3.125000000e-02, v0;
	_ =	sdelay $0x1  }
0xcb: {  	v0 =	vadd.f32 v1, v0;
	_ =	sdelay $0x1  }
0xcc: {  	[tilespmem:s23+$0x20] =	vst v0  }
0xcd: {  	v0 =	vld [tilespmem:s25+$0x30]  }
0xce: {  	v1 =	vld [tilespmem:s22+$0x30];
	_ =	sdelay $0x3  }
.Ltmp1:
0xcf: {  	v0 =	vmul.f32 $3.125000000e-02, v0;
	(pc) =	sbr.rel @p0 .LBB2_5-.Ltmp1, $3  }
0xd0: {  	_ = 	snop  }
0xd1: {  	v0 =	vadd.f32 v1, v0;
	_ =	sdelay $0x1  }
0xd2: {  	s25 =	sadd.s32 $0x80, s25;
	[tilespmem:s23+$0x30] =	vst v0  }
0xd3: {  	s21 =	sadd.s32 s6, s21  }
0xd4: {  	s20 =	sadd.s32 $0x1, s20;
	s21 =	smul.u32 $0x640, s21  }
0xd5: {  	p0 =	sne.s32 s20, $0x10  }
.Ltmp2:
0xd6: {  	s21 =	sadd.s32 s2, s21;
	(pc) =	sbr.rel @p0 .LBB2_2-.Ltmp2, $4  }
0xd7: {  	[hbm4b:s21+s3] =	stream.linear.scatter [tilespmem:s18], [sflag:$0x2], $0x3200, $0x38;
	[tilespmem:$0xE200] =	vst v63  }
0xd8: {  	_ =	swait.ge [sflag:s9], $0x3200  }
0xd9: {  	[sflag:s9] =	ssyncset.done $0x0  }
0xda: {  	[sflag:s9] =	ssyncadd.s32 $0xFFFFCE00  }
0xdb: {  	s19 =	sadd.s32 $0x1, s19  }
0xdc: {  	p0 =	sne.s32 s19, s8  }
.Ltmp3:
0xdd: {  	_ = 	snop;
	(pc) =	sbr.rel @p0 .LBB2_1-.Ltmp3, $1  }
0xde: {  	_ =	sdelay $0x3  }
0xdf: {  	_ =	sfence.sel $0x180000  }
0xe0: {  	[bflag:$0x0] =	sbarrier.arrive $0xFFFF  }
0xe1: {  	p0 =	sne.s32 s0, $0x0;
	_ =	strace $0x90000047  }
0xe2: {  	s0 =	sadd.s32 @!p0 $0x100000, s1;
	[bflag:$0x2] =	sbarrier.arrive $0xFFFF  }
0xe3: {  	[sflag:s0] =	ssyncadd.tile.s32 @!p0 $0x1;
	_ =	shalt  }
.Lfunc_end2:
_tile_overlayer_lowered:
.L_overlay_start_2:
0xe4: {  	(tag) =	ssettag $0x2  }
0xe5: {  	s0 =	rddreg [dreg:$0x0];
	s2 =	stileid.u32  }
0xe6: {  	s1 =	rddreg [dreg:$0x1];
	p0 =	sne.s32 s2, $0x0  }
0xe7: {  	s3 =	rddreg [dreg:$0x2];
	[bflag:$0x3] =	sbarrier.arrive $0xFFFF;
	s2 =	simm.s32 @!p0 $0x1C02  }
0xe8: {  	[timem:s3], [sflag:s2] =	dma.local @!p0 [hbm:s0], s1  }
0xe9: {  	s0 =	simm.s32 @!p0 $0x2  }
0xea: {  	_ =	swait.ge @!p0 [sflag:s0], s1  }
0xeb: {  	s1 =	ssub.s32 @!p0 $0x0, s1;
	[sflag:s0] =	ssyncset.done @!p0 $0x0  }
0xec: {  	[sflag:s0] =	ssyncadd.s32 @!p0 s1  }
0xed: {  	[bflag:$0x3] =	sbarrier.arrive $0xFFFF  }
0xee: {  	_ =	shalt  }

// kernel: sparse-core-data-format-call.cloned.1.call-start
scs
called_computation_lowered:
.L_overlay_start_0:
0x0: {  	s2 =	sld [smem:$0x3FD9]  }
0x1: {  	s3 =	sld [smem:$0x3FFE];
	_ =	sdelay $0x1  }
0x2: {  	s1 =	srdreg.scid  }
0x3: {  	s0 =	sand.u32 $0x1, s1  }
0x4: {  	s18 =	sshll.u32 s0, $0xA;
	s2 =	sadd.s32 s3, s2  }
0x5: {  	s2 =	sadd.s32 s2, s18  }
0x6: {  	[smem:$0x3FC5] =	sst s2  }
0x7: {  	_ = 	snop  }
0x8: {  	s2 =	sld [smem:$0x3FD0];
	(tm) =	ssettm $0x1  }
0x9: {  	s19 =	sld [smem:$0x3FFB];
	_ =	sdelay $0x3  }
0xa: {  	_ =	strace s19  }
0xb: {  	s3 =	sld [smem:$0x3FFC];
	_ =	sdelay $0x3  }
0xc: {  	_ =	strace s3  }
0xd: {  	s3 =	sld [smem:$0x3FFD];
	_ =	sdelay $0x3  }
0xe: {  	_ =	strace s3  }
0xf: {  	_ =	strace $0x8FFFFFFF  }
0x10: {  	s20 =	sld [smem:$0x3FDB];
	_ =	sdelay $0x1  }
0x11: {  	s4 =	simm.s32 $_scs_section_size  }
0x12: {  	s5 =	simm.s32 $_size__tile_overlayer_lowered;
	s6 =	simm.s32 $_tile_overlayer_lowered  }
0x13: {  	s23 =	simm.s32 $0x1BFF;
	s22 =	sshll.u32 s6, $0x1;
	s3 =	sadd.s32 s4, s20  }
0x14: {  	s7 =	simm.s32 $0x0;
	s21 =	sshll.u32 s5, $0x1;
	s5 =	sadd.s32 s22, s3  }
0x15: {  	[timem:s7], [sflag:s23] =	dma.local [hbm:s5], s21  }
0x16: {  	_ =	swait.ge [sflag:s23], s21  }
0x17: {  	s4 =	ssub.s32 $0x0, s21;
	[sflag:s23] =	ssyncset.done $0x0  }
0x18: {  	[sflag:s23] =	ssyncadd.s32 s4;
	_ =	sdelay $0x1  }
0x19: {  	s24 =	simm.s32 $0x1B8B  }
0x1a: {  	_ =	swait.ge [sflag:s24], $0x1  }
0x1b: {  	[sflag:s24] =	ssyncset.done $0x0  }
0x1c: {  	s26 =	simm.s32 $0x1B8E;
	s25 =	sld [smem:$0x3FFE];
	[sflag:s24] =	ssyncadd.s32 $0xFFFFFFFF  }
0x1d: {  	s27 =	simm.s32 $execute0_lowered;
	[smem:$0x3FD2] =	sst s26  }
0x1e: {  	s5 =	sshll.u32 s27, $0x1;
	_ =	strace $0x80000049;
	[dreg:$0x1] =	wrdreg $0xFFFFFFFF  }
0x1f: {  	s28 =	simm.s32 $_size_execute0_lowered;
	s3 =	sadd.s32 s3, s5;
	[dreg:$0x0] =	wrdreg $0x0  }
0x20: {  	s5 =	sshll.u32 s28, $0x1;
	[dreg:$0x2] =	wrdreg s3  }
0x21: {  	[dreg:$0x3] =	wrdreg s5  }
0x22: {  	[dreg:$0x4] =	wrdreg $0xC0  }
0x23: {  	_ =	task [dreg:s7], $0x5FFFF  }
0x24: {  	[dreg:$0x1] =	wrdreg $0xFFFFFFFF  }
0x25: {  	[dreg:$0x0] =	wrdreg $0x60  }
0x26: {  	[dreg:$0x2] =	wrdreg s25  }
0x27: {  	[dreg:$0x3] =	wrdreg s2  }
0x28: {  	[dreg:$0x4] =	wrdreg $0x9  }
0x29: {  	_ =	task.clear_ibuf [dreg:s7], $0x5FFFF;
	_ =	strace $0x90000049  }
0x2a: {  	s29 =	simm.s32 $0x9;
	_ =	strace $0x8000004B  }
0x2b: {  	_ =	swait.ge [sflag:s29], $0x1  }
0x2c: {  	[sflag:s29] =	ssyncadd.s32 $0xFFFFFFFF  }
0x2d: {  	_ =	strace $0x9000004B  }
0x2e: {  	_ =	sfence  }
0x2f: {  	s30 =	sld [smem:$0x0];
	_ =	sdelay $0x2  }
0x30: {  	s31 =	sshll.u32 s1, $0xD;
	s1 =	sshrl.u32 s1, $0x2  }
0x31: {  	s3 =	sand.u32 $0x4000, s31;
	s1 =	sadd.s32 s1, s30  }
0x32: {  	s0 =	sor.u32 s3, s0;
	s1 =	sshll.u32 s1, $0x11  }
0x33: {  	s0 =	sor.u32 s1, s0  }
0x34: {  	s0 =	sadd.s32 $0x8F2B, s0  }
0x35: {  	[sflag:s0] =	ssyncadd.remote.s32 $0x1  }
0x36: {  	_ =	sfence.sel $0xFFFF  }
0x37: {  	[dreg:$0x0] =	wrdreg $0xFFFFFFFF;
	(pc) =	sbr.abs _section_cstart, $3  }
0x38: {  	[dreg:$0x1] =	wrdreg $0xFFFFFFFF  }
0x39: {  	_ =	task.clear_ibuf [dreg:s7], $0x2FFFF;
	_ =	strace $0x9FFFFFFF  }
0x3a: {  	(tm) =	ssettm $0x7FFFFFFF  }
0x3b: {  	_ =	shalt  }
tec
execute0_lowered:
.L_overlay_start_1:
0x0: {  	(tag) =	ssettag $0x1  }
0x1: {  	s0 =	srdreg.scid  }
0x2: {  	s1 =	sshll.u32 s0, $0x4  }
0x3: {  	s4 =	rddreg [dreg:$0x0];
	s0 =	stileid.u32;
	s1 =	sand.u32 $0x10, s1  }
0x4: {  	s2 =	rddreg [dreg:$0x1];
	s7 =	simm.s32 $0x1;
	s1 =	sor.u32 s0, s1  }
0x5: {  	s8 =	simm.s32 $0x2;
	s11 =	simm.s32 $0x0;
	s3 =	sshll.u32 s1, $0x7  }
0x6: {  	s10 =	simm.s32 $0x0;
	s4 =	sadd.s32 $0xC00, s4;
	s6 =	ssub.s32 $0x32000, s3  }
.Ltmp0:
0x7: {  	s1 =	rddreg [dreg:$0x2];
	s5 =	sand.u32 $0xF80, s6;
	(pc) =	sbr.rel .LBB1_1-.Ltmp0, $4  }
0x8: {  	_ =	strace $0x8000004A;
	s9 =	smov.u32 s3;
	p0 =	sne.s32 s5, $0x0  }
0x9: {  	s6 =	sshrl.u32 s6, $0xC;
	s5 =	simm.s32 $0x1;
	s7 =	simm.s32 @!p0 $0x0  }
0xa: {  	[sflag:s5] =	ssyncpa.u1 $0x0;
	p0 =	por $0x0, $0x0;
	s6 =	sadd.s32 s7, s6  }
0xb: {  	[sflag:s8] =	ssyncpa.u1 $0x0;
	s8 =	simm.s32 $0x190000;
	s7 =	sadd.s32 $0x1, s6  }
.LBB1_4:
0xc: {  	s14 =	sshll.u32 s11, $0x3  }
0xd: {  	s30 =	sand.u32 $0x7F, s11;
	s15 =	sand.u32 $0xFFFFFC00, s14  }
0xe: {  	s11 =	sor.u32 s30, s15  }
0xf: {  	s15 =	smulhi.u32 $0x51EB851F, s11  }
0x10: {  	s14 =	smulhi.u32 $0x51EB851F, s14  }
0x11: {  	s15 =	sshrl.u32 s15, $0x10  }
0x12: {  	s14 =	sshrl.u32 s14, $0x10;
	s15 =	smul.u32 $0x32000, s15  }
0x13: {  	s14 =	sand.u32 $0x3F, s14  }
0x14: {  	s14 =	smul.u32 $0x6400, s14;
	s11 =	ssub.s32 s11, s15  }
0x15: {  	[tilespmem:s13+$0x810 ss:$0x81] =	vst.msk $0xffff, v2;
	s15 =	sand.u32 $0x7, s11  }
0x16: {  	[tilespmem:s13+$0x1020 ss:$0x81] =	vst.msk $0xffff, v0;
	s14 =	sadd.s32 s2, s14;
	s11 =	sshrl.u32 s11, $0x3;
	s15 =	sshll.u32 s15, $0x12  }
0x17: {  	[tilespmem:s13+$0x0 ss:$0x81] =	vst.msk $0xffff, v1;
	s11 =	sadd.s32 s11, s14;
	s31 =	sor.u32 $0x400, s15  }
0x18: {  	[hbm4b:s11+s31] =	stream.strided.scatter [tilespmem:s12], [sflag:$0x2], $0x2000, s8, s31, $0x20;
	[tilespmem:$0x8080] =	vst v63  }
.LBB1_5:
0x19: {  	s13 =	sadd.s32 $0x1000, s9  }
0x1a: {  	p2 =	sgt.s32 s13, $0x31FFF  }
0x1b: {  	s13 =	smov.u32 @p2 s3;
	p2 =	sne.s32 s10, s7  }
.Ltmp1:
0x1c: {  	p1 =	slt.u32 s10, $0x2;
	(pc) =	sbr.rel @!p2 .LBB1_6-.Ltmp1, $4  }
0x1d: {  	s12 =	simm.s32 @!p1 $0x2  }
0x1e: {  	s14 =	sadd.s32 $0x1, s10;
	_ =	swait.ge @!p1 [sflag:s12], $0x2000  }
0x1f: {  	s11 =	smov.u32 s9;
	p0 =	por !p0, !p0;
	[sflag:s12] =	ssyncset.done @!p1 $0x0  }
0x20: {  	s10 =	smov.u32 s14;
	s9 =	smov.u32 s13;
	[sflag:s12] =	ssyncadd.s32 @!p1 $0xFFFFE000  }
.LBB1_1:
0x21: {  	p1 =	sge.u32 s10, s6  }
0x22: {  	s12 =	sand.u32 @!p1 $0x1FFFFFF, s9  }
0x23: {  	s13 =	smulhi.u32 @!p1 $0x147AE15, s12;
	_ =	sdelay $0x1  }
0x24: {  	s13 =	sshrl.u32 @!p1 s13, $0xA  }
0x25: {  	s13 =	smul.u32 @!p1 $0x32000, s13;
	_ =	sdelay $0x1  }
0x26: {  	s31 =	sadd.s32 $0xFFFFFFFF, s10;
	s14 =	sxor.u32 @!p1 $0xFFFFFFFF, s10;
	s12 =	ssub.s32 @!p1 s12, s13  }
0x27: {  	s15 =	simm.s32 @!p1 $0x80;
	s14 =	sshll.u32 @!p1 s14, $0xD;
	s12 =	sshll.u32 @!p1 s12, $0x4  }
0x28: {  	s13 =	sand.u32 @!p1 $0x2000, s14;
	s14 =	simm.s32 @!p1 $0x40;
	s12 =	sadd.s32 @!p1 s4, s12  }
0x29: {  	[tilespmem:s13], [sflag:$0x1] =	stream.strided.gather @!p1 [hbm4b:s12+s14], $0x2000, s15, s14, $0x38;
	[tilespmem:$0x8080] =	vst v63  }
0x2a: {  	p1 =	sge.u32 s31, s6  }
.Ltmp2:
0x2b: {  	_ = 	snop;
	(pc) =	sbr.rel @p1 .LBB1_5-.Ltmp2, $1  }
0x2c: {  	_ =	sdelay $0x3  }
0x2d: {  	s12 =	simm.s32 $0x1  }
0x2e: {  	_ =	swait.ge [sflag:s5], $0x2000;
	s12 =	simm.s32 @!p0 $0x0  }
0x2f: {  	[sflag:s5] =	ssyncset.done $0x0;
	s13 =	sshll.u32 s12, $0xD  }
0x30: {  	[sflag:s5] =	ssyncadd.s32 $0xFFFFE000;
	s16 =	sor.u32 $0x20, s13  }
0x31: {  	s12 =	smul.u32 $0x8100, s12;
	v3 =	vld [tilespmem:s16+$0x10]  }
0x32: {  	s30 =	sand.u32 $0x1, s10;
	v2 =	vld [tilespmem:s16+$0xFFFFFFF0]  }
0x33: {  	s13 =	smul.u32 $0x8100, s30;
	s12 =	sshrl.u32 s12, $0x2;
	v0 =	vld [tilespmem:s16+$0x0]  }
0x34: {  	v1 =	vld [tilespmem:s16+$0xFFFFFFE0];
	s14 =	sor.u32 $0x4000, s12  }
0x35: {  	s31 =	sshrl.u32 s13, $0x2;
	s13 =	sadd.s32 $0x0, s14  }
0x36: {  	s15 =	simm.s32 $0x4;
	s16 =	sadd.s32 $0x40, s16;
	s12 =	sor.u32 $0x4000, s31;
	[tilespmem:s13+$0x1830 ss:$0x81] =	vst.msk $0xffff, v3  }
.LBB1_3:
0x37: {  	v3 =	vld [tilespmem:s16+$0x10];
	p1 =	sne.s32 s15, $0x1FC;
	[tilespmem:s13+$0x810 ss:$0x81] =	vst.msk $0xffff, v2;
	s17 =	smov.u32 s15;
	s15 =	sadd.s32 $0x4, s15  }
.Ltmp3:
0x38: {  	v2 =	vld [tilespmem:s16+$0xFFFFFFF0];
	[tilespmem:s13+$0x1020 ss:$0x81] =	vst.msk $0xffff, v0;
	(pc) =	sbr.rel @p1 .LBB1_3-.Ltmp3, $4  }
0x39: {  	v0 =	vld [tilespmem:s16+$0x0];
	[tilespmem:s13+$0x0 ss:$0x81] =	vst.msk $0xffff, v1  }
0x3a: {  	s13 =	sshra.s32 s17, $0x2;
	v1 =	vld [tilespmem:s16+$0xFFFFFFE0]  }
0x3b: {  	s13 =	sadd.s32 s13, s14  }
0x3c: {  	s16 =	sadd.s32 $0x40, s16;
	[tilespmem:s13+$0x1830 ss:$0x81] =	vst.msk $0xffff, v3  }
.Ltmp4:
0x3d: {  	_ = 	snop;
	(pc) =	sbr.rel .LBB1_4-.Ltmp4, $1  }
0x3e: {  	_ =	sdelay $0x3  }
.LBB1_6:
0x3f: {  	_ =	sfence.sel $0x180000  }
0x40: {  	s2 =	simm.s32 $0x1;
	[bflag:$0x0] =	sbarrier.arrive $0xFFFF  }
0x41: {  	s31 =	simm.s32 $0x2;
	[sflag:s2] =	ssyncpa.u1 $0x1  }
0x42: {  	[sflag:s31] =	ssyncpa.u1 $0x1  }
0x43: {  	p0 =	sne.s32 s0, $0x0;
	_ =	strace $0x9000004A  }
0x44: {  	s0 =	sadd.s32 @!p0 $0x100000, s1;
	[bflag:$0x2] =	sbarrier.arrive $0xFFFF  }
0x45: {  	[sflag:s0] =	ssyncadd.tile.s32 @!p0 $0x1;
	_ =	shalt  }
.Lfunc_end1:
_tile_overlayer_lowered:
.L_overlay_start_2:
0x46: {  	(tag) =	ssettag $0x2  }
0x47: {  	s0 =	rddreg [dreg:$0x0];
	s2 =	stileid.u32  }
0x48: {  	s1 =	rddreg [dreg:$0x1];
	p0 =	sne.s32 s2, $0x0  }
0x49: {  	s3 =	rddreg [dreg:$0x2];
	[bflag:$0x3] =	sbarrier.arrive $0xFFFF;
	s2 =	simm.s32 @!p0 $0x1C01  }
0x4a: {  	[timem:s3], [sflag:s2] =	dma.local @!p0 [hbm:s0], s1  }
0x4b: {  	s0 =	simm.s32 @!p0 $0x1  }
0x4c: {  	_ =	swait.ge @!p0 [sflag:s0], s1  }
0x4d: {  	s1 =	ssub.s32 @!p0 $0x0, s1;
	[sflag:s0] =	ssyncset.done @!p0 $0x0  }
0x4e: {  	[sflag:s0] =	ssyncadd.s32 @!p0 s1  }
0x4f: {  	[bflag:$0x3] =	sbarrier.arrive $0xFFFF  }
0x50: {  	_ =	shalt  }

</sc_bundles>
